<compile_context>
chip_gen: v7x
topology: tpu7x:2x2x1
jax: 0.10.2.dev20260603
libtpu: 0.0.44.dev20260713+nightly
codegen_flags: <defaults>
</compile_context>

<pallas_src>
import jax
import jax.numpy as jnp
from jax import lax
from jax.experimental import pallas as pl
from jax.experimental.pallas import tpu as pltpu
from jax.experimental.pallas import tpu_sc as plsc

N = 10000
E = 320000
D_IN = 128
D_OUT = 32
G = 64

NPAD = 10240
NC = 2
NS = 16
NW = NC * NS
EPW = E // NW
CHUNK = 128
NCHUNK = 80
EPW_PAD = NCHUNK * CHUNK
RPT = NPAD // NS
DEG_NBUF = 8
NBUF = 2

_mesh = plsc.VectorSubcoreMesh(core_axis_name="c", subcore_axis_name="s")



def _deg_body(ei_hbm, out_hbm, idx_v, ones_v, zeros_v, acc_sh, sem):
    c = lax.axis_index("c")
    s = lax.axis_index("s")
    wid = c * NS + s

    def _fill_zero(i, carry):
        zeros_v[pl.ds(i * 16, 16)] = jnp.zeros((16,), jnp.float32)
        return carry

    lax.fori_loop(0, RPT // 16, _fill_zero, 0)

    def _fill_one(i, carry):
        ones_v[pl.ds(i * 16, 16)] = jnp.ones((16,), jnp.float32)
        return carry

    lax.fori_loop(0, CHUNK // 16, _fill_one, 0)

    pltpu.sync_copy(zeros_v, acc_sh.at[pl.ds(s * RPT, RPT)])
    plsc.subcore_barrier()

    pltpu.sync_copy(ei_hbm.at[1, wid], idx_v)

    def _chunk(r, carry):
        for b in range(DEG_NBUF):
            pltpu.async_copy(ones_v, acc_sh.at[idx_v.at[r * DEG_NBUF + b]],
                             sem, add=True)
        for b in range(DEG_NBUF):
            pltpu.make_async_copy(ones_v,
                                  acc_sh.at[idx_v.at[r * DEG_NBUF + b]],
                                  sem).wait()
        return carry

    lax.fori_loop(0, NCHUNK // DEG_NBUF, _chunk, 0)
    plsc.subcore_barrier()
    pltpu.sync_copy(acc_sh.at[pl.ds(s * RPT, RPT)],
                    out_hbm.at[c, pl.ds(s * RPT, RPT)])


_deg_call = pl.kernel(
    _deg_body,
    out_type=jax.ShapeDtypeStruct((NC, NPAD), jnp.float32),
    mesh=_mesh,
    scratch_types=[
        pltpu.VMEM((NCHUNK, CHUNK), jnp.int32),
        pltpu.VMEM((CHUNK,), jnp.float32),
        pltpu.VMEM((RPT,), jnp.float32),
        pltpu.VMEM_SHARED((NPAD,), jnp.float32),
        pltpu.SemaphoreType.DMA,
    ],
)


_ZR = 64


def _scat_body(u_hbm, ei_hbm, out_hbm,
               idxs_b, idxd_b, rows_v, zrow_v, acc_sh,
               sem_i0, sem_i1, sem_g, sem_s):
    c = lax.axis_index("c")
    s = lax.axis_index("s")
    wid = c * NS + s

    @pl.when(c == 0)
    def _():
        pltpu.sync_copy(u_hbm.at[pl.ds(s * RPT, RPT)],
                        acc_sh.at[pl.ds(s * RPT, RPT)])

    @pl.when(c != 0)
    def _():
        def _fill_zero(r, carry):
            for k in range(D_IN // 16):
                zrow_v[r, pl.ds(16 * k, 16)] = jnp.zeros((16,), jnp.float32)
            return carry

        lax.fori_loop(0, _ZR, _fill_zero, 0)

        def _zero_acc(k, carry):
            pltpu.sync_copy(zrow_v, acc_sh.at[pl.ds(s * RPT + k * _ZR, _ZR)])
            return carry

        lax.fori_loop(0, RPT // _ZR, _zero_acc, 0)

    plsc.subcore_barrier()

    sems = (sem_i0, sem_i1)

    def idx_issue(slot, j):
        pltpu.async_copy(ei_hbm.at[0, wid, j], idxs_b.at[slot], sems[slot])
        pltpu.async_copy(ei_hbm.at[1, wid, j], idxd_b.at[slot], sems[slot])

    def idx_wait(slot):
        pltpu.make_async_copy(ei_hbm.at[0, wid, 0], idxs_b.at[slot],
                              sems[slot]).wait()
        pltpu.make_async_copy(ei_hbm.at[1, wid, 0], idxd_b.at[slot],
                              sems[slot]).wait()

    idx_issue(0, 0)
    idx_issue(1, 1)
    idx_wait(0)
    pltpu.async_copy(u_hbm.at[idxs_b.at[0]], rows_v.at[0], sem_g)

    def _round(sr, carry):
        for st in (0, 1):
            j = 2 * sr + st
            pltpu.make_async_copy(u_hbm.at[idxs_b.at[st]], rows_v.at[st],
                                  sem_g).wait()
            pltpu.async_copy(rows_v.at[st], acc_sh.at[idxd_b.at[st]],
                             sem_s, add=True)

            @pl.when(j + 1 < NCHUNK)
            def _():
                idx_wait(1 - st)
                pltpu.async_copy(u_hbm.at[idxs_b.at[1 - st]],
                                 rows_v.at[1 - st], sem_g)

            pltpu.make_async_copy(rows_v.at[st], acc_sh.at[idxd_b.at[st]],
                                  sem_s).wait()

            @pl.when(j + 2 < NCHUNK)
            def _():
                idx_issue(st, j + 2)
        return carry

    lax.fori_loop(0, NCHUNK // 2, _round, 0)
    plsc.subcore_barrier()
    pltpu.sync_copy(acc_sh.at[pl.ds(s * RPT, RPT)],
                    out_hbm.at[c, pl.ds(s * RPT, RPT)])


_scat_call = pl.kernel(
    _scat_body,
    out_type=jax.ShapeDtypeStruct((NC, NPAD, D_IN), jnp.float32),
    mesh=_mesh,
    scratch_types=[
        pltpu.VMEM((2, CHUNK), jnp.int32),
        pltpu.VMEM((2, CHUNK), jnp.int32),
        pltpu.VMEM((2, CHUNK, D_IN), jnp.float32),
        pltpu.VMEM((_ZR, D_IN), jnp.float32),
        pltpu.VMEM_SHARED((NPAD, D_IN), jnp.float32),
        pltpu.SemaphoreType.DMA,
        pltpu.SemaphoreType.DMA,
        pltpu.SemaphoreType.DMA,
        pltpu.SemaphoreType.DMA,
    ],
)



def _u_body(x_ref, d_ref, u_ref):
    deg = d_ref[0] + d_ref[1] + 1.0
    dinv = lax.rsqrt(deg)
    db = jnp.broadcast_to(dinv, (NPAD, D_IN))
    u_ref[0:N, :] = x_ref[...] * db[0:N, :]
    u_ref[N:NPAD, :] = jnp.zeros((NPAD - N, D_IN), jnp.float32)


def _u_call(x, degp3):
    return pl.pallas_call(
        _u_body,
        out_shape=jax.ShapeDtypeStruct((NPAD, D_IN), jnp.float32),
    )(x, degp3)


RBLK = 1000
NBLK = N // RBLK
GD = G * D_OUT


def _pool_body(batch_ref, s_ref, d_ref, wg_ref,
               bg_ref, w1_ref, wt2_ref, bc_ref, out_ref, macc, sacc, cacc):
    i = pl.program_id(0)

    @pl.when(i == 0)
    def _():
        macc[...] = jnp.full((1, GD), -jnp.inf, jnp.float32)
        sacc[...] = jnp.zeros((G, D_OUT), jnp.float32)
        cacc[...] = jnp.zeros((G, D_OUT), jnp.float32)

    dinv = lax.rsqrt(d_ref[0] + d_ref[1] + 1.0)
    agg = ((s_ref[0] + s_ref[1]) *
           jnp.broadcast_to(dinv, (RBLK, D_IN)))
    y = lax.dot_general(agg.astype(jnp.bfloat16), wg_ref[...],
                        (((1,), (0,)), ((), ())),
                        preferred_element_type=jnp.float32)
    h = jnp.maximum(y + bg_ref[...], 0.0)

    onehot = (batch_ref[0] ==
              lax.broadcasted_iota(jnp.int32, (RBLK, G), 1)
              ).astype(jnp.float32)
    sacc[...] = sacc[...] + lax.dot_general(
        onehot, h, (((0,), (0,)), ((), ())),
        preferred_element_type=jnp.float32,
        precision=lax.Precision.HIGHEST)
    cacc[...] = cacc[...] + lax.dot_general(
        onehot, jnp.ones((RBLK, D_OUT), jnp.float32),
        (((0,), (0,)), ((), ())),
        preferred_element_type=jnp.float32,
        precision=lax.Precision.HIGHEST)

    ht = jnp.broadcast_to(h[:, None, :], (RBLK, G, D_OUT)).reshape(RBLK, GD)
    gcol = lax.broadcasted_iota(jnp.int32, (1, GD), 1) // D_OUT
    mask = batch_ref[0] == gcol
    macc[...] = jnp.maximum(
        macc[...],
        jnp.max(jnp.where(mask, ht, -jnp.inf), axis=0, keepdims=True))

    @pl.when(i == NBLK - 1)
    def _():
        gap_bf = (sacc[...] / jnp.maximum(cacc[...], 1.0)).astype(jnp.bfloat16)
        out_gap = lax.dot_general(
            w1_ref[...].astype(jnp.bfloat16), gap_bf,
            (((1,), (1,)), ((), ())),
            preferred_element_type=jnp.float32)
        gmp_bf = jnp.maximum(macc[...], jnp.float32(-1e30)).astype(jnp.bfloat16)
        contrib = (gmp_bf.astype(jnp.float32) *
                   wt2_ref[...].astype(jnp.bfloat16).astype(jnp.float32))
        iog = lax.broadcasted_iota(jnp.int32, (G, GD), 0)
        ioc = lax.broadcasted_iota(jnp.int32, (G, GD), 1) // D_OUT
        sel = (iog == ioc).astype(jnp.float32)
        out_max = lax.dot_general(contrib, sel,
                                  (((1,), (1,)), ((), ())),
                                  preferred_element_type=jnp.float32,
                                  precision=lax.Precision.HIGHEST)
        out_ref[...] = out_gap + out_max + bc_ref[...]


def _pool_call(batch3, s, degp3, wg, bg, w1, wt2, bc):
    full = lambda shape: pl.BlockSpec(shape, lambda i: tuple(0 for _ in shape))
    return pl.pallas_call(
        _pool_body,
        grid=(NBLK,),
        in_specs=[
            pl.BlockSpec((1, RBLK, 1), lambda i: (i, 0, 0)),
            pl.BlockSpec((NC, RBLK, D_IN), lambda i: (0, i, 0)),
            pl.BlockSpec((NC, RBLK, 1), lambda i: (0, i, 0)),
            full((D_IN, D_OUT)), full((1, D_OUT)), full((1, D_OUT)),
            full((1, GD)), full((1, G)),
        ],
        out_specs=full((1, G)),
        out_shape=jax.ShapeDtypeStruct((1, G), jnp.float32),
        scratch_shapes=[
            pltpu.VMEM((1, GD), jnp.float32),
            pltpu.VMEM((G, D_OUT), jnp.float32),
            pltpu.VMEM((G, D_OUT), jnp.float32),
        ],
    )(batch3, s, degp3, wg, bg, w1, wt2, bc)



def kernel(x, edge_index, batch, W_gcn, b_gcn, W_cls, b_cls):
    pad_vals = N + (jnp.arange(EPW_PAD - EPW, dtype=jnp.int32) % (NPAD - N))
    pad = jnp.broadcast_to(pad_vals[None, None, :], (2, NW, EPW_PAD - EPW))
    ei = jnp.concatenate([edge_index.reshape(2, NW, EPW), pad],
                         axis=2).reshape(2, NW, NCHUNK, CHUNK)

    degp = _deg_call(ei)
    degp3 = degp.reshape(NC, NPAD, 1)
    u = _u_call(x, degp3)
    s = _scat_call(u, ei)

    batch3 = batch.reshape(NBLK, RBLK, 1)
    wgb = W_gcn.astype(jnp.bfloat16)
    w1 = W_cls[0:D_OUT, 0].reshape(1, D_OUT)
    wt2 = jnp.tile(W_cls[D_OUT:2 * D_OUT, 0], G).reshape(1, GD)
    out = _pool_call(batch3, s, degp3, wgb,
                     b_gcn.reshape(1, D_OUT), w1, wt2,
                     jnp.broadcast_to(b_cls.reshape(1, 1), (1, G)))
    return out.reshape(G, 1)

# --- scband reference (transcript-rebuilt; emitter-appended) ---
"""Pipeline reference for scband-gcnmodel-89996744721057 (READ-ONLY COPY).

The authoritative reference and input builder live on the scoring server;
editing this copy changes nothing except your own understanding.
"""

import jax, jax.numpy as jnp
import numpy as np

N = 10000
E = 320000
D_IN = 128
D_OUT = 32
G = 64


def setup_inputs(seed: int = 0) -> dict:
    key = jax.random.key(seed)
    k1, k2, k3, k4, k5 = jax.random.split(key, 5)
    x = jax.random.normal(k1, (N, D_IN), dtype=jnp.float32)
    edge_index = jax.random.randint(k2, (2, E), 0, N, dtype=jnp.int32)
    batch = jnp.sort(jax.random.randint(k3, (N,), 0, G, dtype=jnp.int32))
    W_gcn = jax.random.normal(k4, (D_IN, D_OUT), dtype=jnp.float32) * 0.05
    b_gcn = jnp.zeros((D_OUT,), dtype=jnp.float32)
    W_cls = jax.random.normal(k5, (2 * D_OUT, 1), dtype=jnp.float32) * 0.05
    b_cls = jnp.zeros((1,), dtype=jnp.float32)
    return {"x": x, "edge_index": edge_index, "batch": batch,
            "W_gcn": W_gcn, "b_gcn": b_gcn, "W_cls": W_cls, "b_cls": b_cls}


def reference(x, edge_index, batch, W_gcn, b_gcn, W_cls, b_cls):
    # --- GCN layer (Kipf-Welling): add self-loops, symmetric normalization ---
    src = edge_index[0]
    dst = edge_index[1]
    loop = jnp.arange(N, dtype=src.dtype)
    src_f = jnp.concatenate([src, loop])
    dst_f = jnp.concatenate([dst, loop])
    deg = jnp.zeros((N,), dtype=jnp.float32).at[dst_f].add(1.0)
    dinv = jnp.where(deg > 0, jax.lax.rsqrt(deg), 0.0)
    norm = dinv[src_f] * dinv[dst_f]
    msg = x[src_f] * norm[:, None]
    agg = jax.ops.segment_sum(msg, dst_f, num_segments=N)
    h = jax.nn.relu(agg @ W_gcn + b_gcn)
    # dropout(p=0.1) omitted (eval mode)
    # --- graph-level readout: gap (mean) + gmp (max) over batch segments ---
    cnt = jax.ops.segment_sum(jnp.ones((N,), dtype=jnp.float32), batch, num_segments=G)
    x_gap = jax.ops.segment_sum(h, batch, num_segments=G) / jnp.maximum(cnt, 1.0)[:, None]
    x_gmp = jax.ops.segment_max(h, batch, num_segments=G)
    pooled = jnp.concatenate([x_gap, x_gmp], axis=1)
    out = pooled @ W_cls + b_cls
    return out

if __name__ == "__main__":
    import jax
    _d = setup_inputs()
    print(jax.jit(kernel)(*tuple(_d.values())))

</pallas_src>

<mosaic_0001>
#map = affine_map<(d0, d1) -> (0, 0, 0, 0)>
#map1 = affine_map<(d0, d1) -> (0, 0)>
module attributes {stable_mosaic.version = 14 : i64} {
  func.func @_deg_body(%arg0: i32, %arg1: i32, %arg2: memref<2x32x80x128xi32, #tpu.memory_space<hbm>>, %arg3: memref<2x10240xf32, #tpu.memory_space<hbm>>, %arg4: memref<80x128xi32, #tpu.memory_space<vmem>>, %arg5: memref<128xf32, #tpu.memory_space<vmem>>, %arg6: memref<640xf32, #tpu.memory_space<vmem>>, %arg7: memref<10240xf32, #tpu.memory_space<vmem_shared>>, %arg8: memref<!tpu.dma_semaphore, #tpu.memory_space<semaphore_mem>>) attributes {dimension_semantics = [#tpu.dimension_semantics<core_parallel>, #tpu.dimension_semantics<subcore_parallel>], iteration_bounds = array<i64: 2, 16>, scalar_prefetch = 0 : i64, scratch_operands = 5 : i64, tpu.core_type = #tpu.core_type<sc_vector_subcore>, window_params = [{transform_indices = #map}, {transform_indices = #map1}]} {
    %mul3A = arith.constant 16 : i32
    %mul3A_0 = arith.muli %arg0, %mul3A : i32
    %add3A = arith.addi %mul3A_0, %arg1 : i32
    %scan3A = arith.constant 0 : i32
    %scan3A_1 = arith.constant 0 : i32
    %scan3A_2 = arith.constant 40 : i32
    %scan3A_3 = arith.addi %scan3A_1, %scan3A_2 : i32
    %scan3A_4 = arith.constant 1 : i32
    scf.for %scan3A_25 = %scan3A_1 to %scan3A_3 step %scan3A_4  : i32 {
      %broadcast_in_dim3A = arith.constant 0.000000e+00 : f32
      %broadcast_in_dim3A_26 = vector.broadcast %broadcast_in_dim3A : f32 to vector<16xf32>
      %mul3A_27 = arith.constant 16 : i32
      %mul3A_28 = arith.muli %scan3A_25, %mul3A_27 : i32
      %swap3A = arith.index_cast %mul3A_28 : i32 to index
      %swap3A_29 = tpu.vector_load %arg6[%swap3A] {strides = array<i32>} : memref<640xf32, #tpu.memory_space<vmem>>, vector<16xf32>,
      %swap3A_30 = vector.shape_cast %swap3A_29 : vector<16xf32> to vector<16xf32>
      %swap3A_31 = vector.shape_cast %broadcast_in_dim3A_26 : vector<16xf32> to vector<16xf32>
      tpu.vector_store %arg6[%swap3A], %swap3A_31 {strides = array<i32>} : memref<640xf32, #tpu.memory_space<vmem>>, vector<16xf32>,
    }
    %scan3A_5 = arith.constant 40 : i32
    %scan3A_6 = arith.constant 0 : i32
    %scan3A_7 = arith.constant 0 : i32
    %scan3A_8 = arith.constant 8 : i32
    %scan3A_9 = arith.addi %scan3A_7, %scan3A_8 : i32
    %scan3A_10 = arith.constant 1 : i32
    scf.for %scan3A_25 = %scan3A_7 to %scan3A_9 step %scan3A_10  : i32 {
      %broadcast_in_dim3A = arith.constant 1.000000e+00 : f32
      %broadcast_in_dim3A_26 = vector.broadcast %broadcast_in_dim3A : f32 to vector<16xf32>
      %mul3A_27 = arith.constant 16 : i32
      %mul3A_28 = arith.muli %scan3A_25, %mul3A_27 : i32
      %swap3A = arith.index_cast %mul3A_28 : i32 to index
      %swap3A_29 = tpu.vector_load %arg5[%swap3A] {strides = array<i32>} : memref<128xf32, #tpu.memory_space<vmem>>, vector<16xf32>,
      %swap3A_30 = vector.shape_cast %swap3A_29 : vector<16xf32> to vector<16xf32>
      %swap3A_31 = vector.shape_cast %broadcast_in_dim3A_26 : vector<16xf32> to vector<16xf32>
      tpu.vector_store %arg5[%swap3A], %swap3A_31 {strides = array<i32>} : memref<128xf32, #tpu.memory_space<vmem>>, vector<16xf32>,
    }
    %scan3A_11 = arith.constant 8 : i32
    %mul3A_12 = arith.constant 640 : i32
    %mul3A_13 = arith.muli %arg1, %mul3A_12 : i32
    "tpu.region"() ({
      %run_scoped3A_25 = tpu.sem_alloc : memref<!tpu.dma_semaphore, #tpu.memory_space<semaphore_mem>>
      %dma_start3A = tpu.memref_slice %arg7[%mul3A_13] : memref<10240xf32, #tpu.memory_space<vmem_shared>> -> memref<640xf32, #tpu.memory_space<vmem_shared>>
      %dma_start3A_26 = tpu.memref_slice %arg7[%mul3A_13] : memref<10240xf32, #tpu.memory_space<vmem_shared>> -> memref<640xf32, #tpu.memory_space<vmem_shared>>
      tpu.enqueue_dma source(%arg6 : memref<640xf32, #tpu.memory_space<vmem>>) target(%dma_start3A_26 : memref<640xf32, #tpu.memory_space<vmem_shared>>) target_semaphore(%run_scoped3A_25 : memref<!tpu.dma_semaphore, #tpu.memory_space<semaphore_mem>>)
      %dma_wait3A = tpu.memref_slice %arg7[%mul3A_13] : memref<10240xf32, #tpu.memory_space<vmem_shared>> -> memref<640xf32, #tpu.memory_space<vmem_shared>>
      %dma_wait3A_27 = tpu.memref_slice %arg7[%mul3A_13] : memref<10240xf32, #tpu.memory_space<vmem_shared>> -> memref<640xf32, #tpu.memory_space<vmem_shared>>
      tpu.wait_dma2 semaphore(%run_scoped3A_25 : memref<!tpu.dma_semaphore, #tpu.memory_space<semaphore_mem>>) src(%arg6 : memref<640xf32, #tpu.memory_space<vmem>>) dst(%dma_wait3A_27 : memref<640xf32, #tpu.memory_space<vmem_shared>>)
      tpu.yield
    }) : () -> ()
    %barrier3A = arith.constant 0 : index
    tpu.barrier barrier_id(%barrier3A)
    %run_scoped3A = arith.constant 1 : i32
    "tpu.region"() ({
      %run_scoped3A_25 = tpu.sem_alloc : memref<!tpu.dma_semaphore, #tpu.memory_space<semaphore_mem>>
      %dma_start3A = arith.constant 0 : i32
      %dma_start3A_26 = arith.constant 0 : i32
      %dma_start3A_27 = tpu.memref_slice %arg2[%run_scoped3A, %add3A, %dma_start3A, %dma_start3A_26] : memref<2x32x80x128xi32, #tpu.memory_space<hbm>> -> memref<1x1x80x128xi32, #tpu.memory_space<hbm>>
      %dma_start3A_28 = tpu.memref_squeeze %dma_start3A_27 : memref<1x1x80x128xi32, #tpu.memory_space<hbm>> -> memref<80x128xi32, #tpu.memory_space<hbm>>
      %dma_start3A_29 = arith.constant 0 : i32
      %dma_start3A_30 = arith.constant 0 : i32
      %dma_start3A_31 = tpu.memref_slice %arg2[%run_scoped3A, %add3A, %dma_start3A_29, %dma_start3A_30] : memref<2x32x80x128xi32, #tpu.memory_space<hbm>> -> memref<1x1x80x128xi32, #tpu.memory_space<hbm>>
      %dma_start3A_32 = tpu.memref_squeeze %dma_start3A_31 : memref<1x1x80x128xi32, #tpu.memory_space<hbm>> -> memref<80x128xi32, #tpu.memory_space<hbm>>
      tpu.enqueue_dma source(%dma_start3A_32 : memref<80x128xi32, #tpu.memory_space<hbm>>) target(%arg4 : memref<80x128xi32, #tpu.memory_space<vmem>>) target_semaphore(%run_scoped3A_25 : memref<!tpu.dma_semaphore, #tpu.memory_space<semaphore_mem>>)
      %dma_wait3A = arith.constant 0 : i32
      %dma_wait3A_33 = arith.constant 0 : i32
      %dma_wait3A_34 = tpu.memref_slice %arg2[%run_scoped3A, %add3A, %dma_wait3A, %dma_wait3A_33] : memref<2x32x80x128xi32, #tpu.memory_space<hbm>> -> memref<1x1x80x128xi32, #tpu.memory_space<hbm>>
      %dma_wait3A_35 = tpu.memref_squeeze %dma_wait3A_34 : memref<1x1x80x128xi32, #tpu.memory_space<hbm>> -> memref<80x128xi32, #tpu.memory_space<hbm>>
      %dma_wait3A_36 = arith.constant 0 : i32
      %dma_wait3A_37 = arith.constant 0 : i32
      %dma_wait3A_38 = tpu.memref_slice %arg2[%run_scoped3A, %add3A, %dma_wait3A_36, %dma_wait3A_37] : memref<2x32x80x128xi32, #tpu.memory_space<hbm>> -> memref<1x1x80x128xi32, #tpu.memory_space<hbm>>
      %dma_wait3A_39 = tpu.memref_squeeze %dma_wait3A_38 : memref<1x1x80x128xi32, #tpu.memory_space<hbm>> -> memref<80x128xi32, #tpu.memory_space<hbm>>
      tpu.wait_dma2 semaphore(%run_scoped3A_25 : memref<!tpu.dma_semaphore, #tpu.memory_space<semaphore_mem>>) src(%dma_wait3A_39 : memref<80x128xi32, #tpu.memory_space<hbm>>) dst(%arg4 : memref<80x128xi32, #tpu.memory_space<vmem>>)
      tpu.yield
    }) : () -> ()
    %scan3A_14 = arith.constant 0 : i32
    %scan3A_15 = arith.constant 0 : i32
    %scan3A_16 = arith.constant 10 : i32
    %scan3A_17 = arith.addi %scan3A_15, %scan3A_16 : i32
    %scan3A_18 = arith.constant 1 : i32
    scf.for %scan3A_25 = %scan3A_15 to %scan3A_17 step %scan3A_18  : i32 {
      %mul3A_26 = arith.constant 8 : i32
      %mul3A_27 = arith.muli %scan3A_25, %mul3A_26 : i32
      %add3A_28 = arith.constant 0 : i32
      %add3A_29 = arith.addi %mul3A_27, %add3A_28 : i32
      %dma_start3A = arith.constant 0 : i32
      %dma_start3A_30 = tpu.memref_slice %arg4[%add3A_29, %dma_start3A] : memref<80x128xi32, #tpu.memory_space<vmem>> -> memref<1x128xi32, #tpu.memory_space<vmem>>
      %dma_start3A_31 = tpu.memref_squeeze %dma_start3A_30 : memref<1x128xi32, #tpu.memory_space<vmem>> -> memref<128xi32, #tpu.memory_space<vmem>>
      %dma_start3A_32 = arith.constant 0 : i32
      %dma_start3A_33 = tpu.memref_slice %arg7[%dma_start3A_32] : memref<10240xf32, #tpu.memory_space<vmem_shared>> -> memref<10240xf32, #tpu.memory_space<vmem_shared>>
      tpu.enqueue_indirect_dma source(%arg5 : memref<128xf32, #tpu.memory_space<vmem>>) target(%dma_start3A_33 : memref<10240xf32, #tpu.memory_space<vmem_shared>>) offsets(%dma_start3A_31 : memref<128xi32, #tpu.memory_space<vmem>>) semaphore(%arg8 : memref<!tpu.dma_semaphore, #tpu.memory_space<semaphore_mem>>) {add = true}
      %mul3A_34 = arith.constant 8 : i32
      %mul3A_35 = arith.muli %scan3A_25, %mul3A_34 : i32
      %add3A_36 = arith.constant 1 : i32
      %add3A_37 = arith.addi %mul3A_35, %add3A_36 : i32
      %dma_start3A_38 = arith.constant 0 : i32
      %dma_start3A_39 = tpu.memref_slice %arg4[%add3A_37, %dma_start3A_38] : memref<80x128xi32, #tpu.memory_space<vmem>> -> memref<1x128xi32, #tpu.memory_space<vmem>>
      %dma_start3A_40 = tpu.memref_squeeze %dma_start3A_39 : memref<1x128xi32, #tpu.memory_space<vmem>> -> memref<128xi32, #tpu.memory_space<vmem>>
      %dma_start3A_41 = arith.constant 0 : i32
      %dma_start3A_42 = tpu.memref_slice %arg7[%dma_start3A_41] : memref<10240xf32, #tpu.memory_space<vmem_shared>> -> memref<10240xf32, #tpu.memory_space<vmem_shared>>
      tpu.enqueue_indirect_dma source(%arg5 : memref<128xf32, #tpu.memory_space<vmem>>) target(%dma_start3A_42 : memref<10240xf32, #tpu.memory_space<vmem_shared>>) offsets(%dma_start3A_40 : memref<128xi32, #tpu.memory_space<vmem>>) semaphore(%arg8 : memref<!tpu.dma_semaphore, #tpu.memory_space<semaphore_mem>>) {add = true}
      %mul3A_43 = arith.constant 8 : i32
      %mul3A_44 = arith.muli %scan3A_25, %mul3A_43 : i32
      %add3A_45 = arith.constant 2 : i32
      %add3A_46 = arith.addi %mul3A_44, %add3A_45 : i32
      %dma_start3A_47 = arith.constant 0 : i32
      %dma_start3A_48 = tpu.memref_slice %arg4[%add3A_46, %dma_start3A_47] : memref<80x128xi32, #tpu.memory_space<vmem>> -> memref<1x128xi32, #tpu.memory_space<vmem>>
      %dma_start3A_49 = tpu.memref_squeeze %dma_start3A_48 : memref<1x128xi32, #tpu.memory_space<vmem>> -> memref<128xi32, #tpu.memory_space<vmem>>
      %dma_start3A_50 = arith.constant 0 : i32
      %dma_start3A_51 = tpu.memref_slice %arg7[%dma_start3A_50] : memref<10240xf32, #tpu.memory_space<vmem_shared>> -> memref<10240xf32, #tpu.memory_space<vmem_shared>>
      tpu.enqueue_indirect_dma source(%arg5 : memref<128xf32, #tpu.memory_space<vmem>>) target(%dma_start3A_51 : memref<10240xf32, #tpu.memory_space<vmem_shared>>) offsets(%dma_start3A_49 : memref<128xi32, #tpu.memory_space<vmem>>) semaphore(%arg8 : memref<!tpu.dma_semaphore, #tpu.memory_space<semaphore_mem>>) {add = true}
      %mul3A_52 = arith.constant 8 : i32
      %mul3A_53 = arith.muli %scan3A_25, %mul3A_52 : i32
      %add3A_54 = arith.constant 3 : i32
      %add3A_55 = arith.addi %mul3A_53, %add3A_54 : i32
      %dma_start3A_56 = arith.constant 0 : i32
      %dma_start3A_57 = tpu.memref_slice %arg4[%add3A_55, %dma_start3A_56] : memref<80x128xi32, #tpu.memory_space<vmem>> -> memref<1x128xi32, #tpu.memory_space<vmem>>
      %dma_start3A_58 = tpu.memref_squeeze %dma_start3A_57 : memref<1x128xi32, #tpu.memory_space<vmem>> -> memref<128xi32, #tpu.memory_space<vmem>>
      %dma_start3A_59 = arith.constant 0 : i32
      %dma_start3A_60 = tpu.memref_slice %arg7[%dma_start3A_59] : memref<10240xf32, #tpu.memory_space<vmem_shared>> -> memref<10240xf32, #tpu.memory_space<vmem_shared>>
      tpu.enqueue_indirect_dma source(%arg5 : memref<128xf32, #tpu.memory_space<vmem>>) target(%dma_start3A_60 : memref<10240xf32, #tpu.memory_space<vmem_shared>>) offsets(%dma_start3A_58 : memref<128xi32, #tpu.memory_space<vmem>>) semaphore(%arg8 : memref<!tpu.dma_semaphore, #tpu.memory_space<semaphore_mem>>) {add = true}
      %mul3A_61 = arith.constant 8 : i32
      %mul3A_62 = arith.muli %scan3A_25, %mul3A_61 : i32
      %add3A_63 = arith.constant 4 : i32
      %add3A_64 = arith.addi %mul3A_62, %add3A_63 : i32
      %dma_start3A_65 = arith.constant 0 : i32
      %dma_start3A_66 = tpu.memref_slice %arg4[%add3A_64, %dma_start3A_65] : memref<80x128xi32, #tpu.memory_space<vmem>> -> memref<1x128xi32, #tpu.memory_space<vmem>>
      %dma_start3A_67 = tpu.memref_squeeze %dma_start3A_66 : memref<1x128xi32, #tpu.memory_space<vmem>> -> memref<128xi32, #tpu.memory_space<vmem>>
      %dma_start3A_68 = arith.constant 0 : i32
      %dma_start3A_69 = tpu.memref_slice %arg7[%dma_start3A_68] : memref<10240xf32, #tpu.memory_space<vmem_shared>> -> memref<10240xf32, #tpu.memory_space<vmem_shared>>
      tpu.enqueue_indirect_dma source(%arg5 : memref<128xf32, #tpu.memory_space<vmem>>) target(%dma_start3A_69 : memref<10240xf32, #tpu.memory_space<vmem_shared>>) offsets(%dma_start3A_67 : memref<128xi32, #tpu.memory_space<vmem>>) semaphore(%arg8 : memref<!tpu.dma_semaphore, #tpu.memory_space<semaphore_mem>>) {add = true}
      %mul3A_70 = arith.constant 8 : i32
      %mul3A_71 = arith.muli %scan3A_25, %mul3A_70 : i32
      %add3A_72 = arith.constant 5 : i32
      %add3A_73 = arith.addi %mul3A_71, %add3A_72 : i32
      %dma_start3A_74 = arith.constant 0 : i32
      %dma_start3A_75 = tpu.memref_slice %arg4[%add3A_73, %dma_start3A_74] : memref<80x128xi32, #tpu.memory_space<vmem>> -> memref<1x128xi32, #tpu.memory_space<vmem>>
      %dma_start3A_76 = tpu.memref_squeeze %dma_start3A_75 : memref<1x128xi32, #tpu.memory_space<vmem>> -> memref<128xi32, #tpu.memory_space<vmem>>
      %dma_start3A_77 = arith.constant 0 : i32
      %dma_start3A_78 = tpu.memref_slice %arg7[%dma_start3A_77] : memref<10240xf32, #tpu.memory_space<vmem_shared>> -> memref<10240xf32, #tpu.memory_space<vmem_shared>>
      tpu.enqueue_indirect_dma source(%arg5 : memref<128xf32, #tpu.memory_space<vmem>>) target(%dma_start3A_78 : memref<10240xf32, #tpu.memory_space<vmem_shared>>) offsets(%dma_start3A_76 : memref<128xi32, #tpu.memory_space<vmem>>) semaphore(%arg8 : memref<!tpu.dma_semaphore, #tpu.memory_space<semaphore_mem>>) {add = true}
      %mul3A_79 = arith.constant 8 : i32
      %mul3A_80 = arith.muli %scan3A_25, %mul3A_79 : i32
      %add3A_81 = arith.constant 6 : i32
      %add3A_82 = arith.addi %mul3A_80, %add3A_81 : i32
      %dma_start3A_83 = arith.constant 0 : i32
      %dma_start3A_84 = tpu.memref_slice %arg4[%add3A_82, %dma_start3A_83] : memref<80x128xi32, #tpu.memory_space<vmem>> -> memref<1x128xi32, #tpu.memory_space<vmem>>
      %dma_start3A_85 = tpu.memref_squeeze %dma_start3A_84 : memref<1x128xi32, #tpu.memory_space<vmem>> -> memref<128xi32, #tpu.memory_space<vmem>>
      %dma_start3A_86 = arith.constant 0 : i32
      %dma_start3A_87 = tpu.memref_slice %arg7[%dma_start3A_86] : memref<10240xf32, #tpu.memory_space<vmem_shared>> -> memref<10240xf32, #tpu.memory_space<vmem_shared>>
      tpu.enqueue_indirect_dma source(%arg5 : memref<128xf32, #tpu.memory_space<vmem>>) target(%dma_start3A_87 : memref<10240xf32, #tpu.memory_space<vmem_shared>>) offsets(%dma_start3A_85 : memref<128xi32, #tpu.memory_space<vmem>>) semaphore(%arg8 : memref<!tpu.dma_semaphore, #tpu.memory_space<semaphore_mem>>) {add = true}
      %mul3A_88 = arith.constant 8 : i32
      %mul3A_89 = arith.muli %scan3A_25, %mul3A_88 : i32
      %add3A_90 = arith.constant 7 : i32
      %add3A_91 = arith.addi %mul3A_89, %add3A_90 : i32
      %dma_start3A_92 = arith.constant 0 : i32
      %dma_start3A_93 = tpu.memref_slice %arg4[%add3A_91, %dma_start3A_92] : memref<80x128xi32, #tpu.memory_space<vmem>> -> memref<1x128xi32, #tpu.memory_space<vmem>>
      %dma_start3A_94 = tpu.memref_squeeze %dma_start3A_93 : memref<1x128xi32, #tpu.memory_space<vmem>> -> memref<128xi32, #tpu.memory_space<vmem>>
      %dma_start3A_95 = arith.constant 0 : i32
      %dma_start3A_96 = tpu.memref_slice %arg7[%dma_start3A_95] : memref<10240xf32, #tpu.memory_space<vmem_shared>> -> memref<10240xf32, #tpu.memory_space<vmem_shared>>
      tpu.enqueue_indirect_dma source(%arg5 : memref<128xf32, #tpu.memory_space<vmem>>) target(%dma_start3A_96 : memref<10240xf32, #tpu.memory_space<vmem_shared>>) offsets(%dma_start3A_94 : memref<128xi32, #tpu.memory_space<vmem>>) semaphore(%arg8 : memref<!tpu.dma_semaphore, #tpu.memory_space<semaphore_mem>>) {add = true}
      %mul3A_97 = arith.constant 8 : i32
      %mul3A_98 = arith.muli %scan3A_25, %mul3A_97 : i32
      %add3A_99 = arith.constant 0 : i32
      %add3A_100 = arith.addi %mul3A_98, %add3A_99 : i32
      %dma_wait3A = arith.constant 0 : i32
      %dma_wait3A_101 = tpu.memref_slice %arg4[%add3A_100, %dma_wait3A] : memref<80x128xi32, #tpu.memory_space<vmem>> -> memref<1x128xi32, #tpu.memory_space<vmem>>
      %dma_wait3A_102 = tpu.memref_squeeze %dma_wait3A_101 : memref<1x128xi32, #tpu.memory_space<vmem>> -> memref<128xi32, #tpu.memory_space<vmem>>
      %dma_wait3A_103 = arith.constant 0 : i32
      %dma_wait3A_104 = tpu.memref_slice %arg7[%dma_wait3A_103] : memref<10240xf32, #tpu.memory_space<vmem_shared>> -> memref<10240xf32, #tpu.memory_space<vmem_shared>>
      tpu.wait_indirect_dma semaphore(%arg8 : memref<!tpu.dma_semaphore, #tpu.memory_space<semaphore_mem>>) src(%arg5 : memref<128xf32, #tpu.memory_space<vmem>>) dst(%dma_wait3A_104 : memref<10240xf32, #tpu.memory_space<vmem_shared>>)
      %mul3A_105 = arith.constant 8 : i32
      %mul3A_106 = arith.muli %scan3A_25, %mul3A_105 : i32
      %add3A_107 = arith.constant 1 : i32
      %add3A_108 = arith.addi %mul3A_106, %add3A_107 : i32
      %dma_wait3A_109 = arith.constant 0 : i32
      %dma_wait3A_110 = tpu.memref_slice %arg4[%add3A_108, %dma_wait3A_109] : memref<80x128xi32, #tpu.memory_space<vmem>> -> memref<1x128xi32, #tpu.memory_space<vmem>>
      %dma_wait3A_111 = tpu.memref_squeeze %dma_wait3A_110 : memref<1x128xi32, #tpu.memory_space<vmem>> -> memref<128xi32, #tpu.memory_space<vmem>>
      %dma_wait3A_112 = arith.constant 0 : i32
      %dma_wait3A_113 = tpu.memref_slice %arg7[%dma_wait3A_112] : memref<10240xf32, #tpu.memory_space<vmem_shared>> -> memref<10240xf32, #tpu.memory_space<vmem_shared>>
      tpu.wait_indirect_dma semaphore(%arg8 : memref<!tpu.dma_semaphore, #tpu.memory_space<semaphore_mem>>) src(%arg5 : memref<128xf32, #tpu.memory_space<vmem>>) dst(%dma_wait3A_113 : memref<10240xf32, #tpu.memory_space<vmem_shared>>)
      %mul3A_114 = arith.constant 8 : i32
      %mul3A_115 = arith.muli %scan3A_25, %mul3A_114 : i32
      %add3A_116 = arith.constant 2 : i32
      %add3A_117 = arith.addi %mul3A_115, %add3A_116 : i32
      %dma_wait3A_118 = arith.constant 0 : i32
      %dma_wait3A_119 = tpu.memref_slice %arg4[%add3A_117, %dma_wait3A_118] : memref<80x128xi32, #tpu.memory_space<vmem>> -> memref<1x128xi32, #tpu.memory_space<vmem>>
      %dma_wait3A_120 = tpu.memref_squeeze %dma_wait3A_119 : memref<1x128xi32, #tpu.memory_space<vmem>> -> memref<128xi32, #tpu.memory_space<vmem>>
      %dma_wait3A_121 = arith.constant 0 : i32
      %dma_wait3A_122 = tpu.memref_slice %arg7[%dma_wait3A_121] : memref<10240xf32, #tpu.memory_space<vmem_shared>> -> memref<10240xf32, #tpu.memory_space<vmem_shared>>
      tpu.wait_indirect_dma semaphore(%arg8 : memref<!tpu.dma_semaphore, #tpu.memory_space<semaphore_mem>>) src(%arg5 : memref<128xf32, #tpu.memory_space<vmem>>) dst(%dma_wait3A_122 : memref<10240xf32, #tpu.memory_space<vmem_shared>>)
      %mul3A_123 = arith.constant 8 : i32
      %mul3A_124 = arith.muli %scan3A_25, %mul3A_123 : i32
      %add3A_125 = arith.constant 3 : i32
      %add3A_126 = arith.addi %mul3A_124, %add3A_125 : i32
      %dma_wait3A_127 = arith.constant 0 : i32
      %dma_wait3A_128 = tpu.memref_slice %arg4[%add3A_126, %dma_wait3A_127] : memref<80x128xi32, #tpu.memory_space<vmem>> -> memref<1x128xi32, #tpu.memory_space<vmem>>
      %dma_wait3A_129 = tpu.memref_squeeze %dma_wait3A_128 : memref<1x128xi32, #tpu.memory_space<vmem>> -> memref<128xi32, #tpu.memory_space<vmem>>
      %dma_wait3A_130 = arith.constant 0 : i32
      %dma_wait3A_131 = tpu.memref_slice %arg7[%dma_wait3A_130] : memref<10240xf32, #tpu.memory_space<vmem_shared>> -> memref<10240xf32, #tpu.memory_space<vmem_shared>>
      tpu.wait_indirect_dma semaphore(%arg8 : memref<!tpu.dma_semaphore, #tpu.memory_space<semaphore_mem>>) src(%arg5 : memref<128xf32, #tpu.memory_space<vmem>>) dst(%dma_wait3A_131 : memref<10240xf32, #tpu.memory_space<vmem_shared>>)
      %mul3A_132 = arith.constant 8 : i32
      %mul3A_133 = arith.muli %scan3A_25, %mul3A_132 : i32
      %add3A_134 = arith.constant 4 : i32
      %add3A_135 = arith.addi %mul3A_133, %add3A_134 : i32
      %dma_wait3A_136 = arith.constant 0 : i32
      %dma_wait3A_137 = tpu.memref_slice %arg4[%add3A_135, %dma_wait3A_136] : memref<80x128xi32, #tpu.memory_space<vmem>> -> memref<1x128xi32, #tpu.memory_space<vmem>>
      %dma_wait3A_138 = tpu.memref_squeeze %dma_wait3A_137 : memref<1x128xi32, #tpu.memory_space<vmem>> -> memref<128xi32, #tpu.memory_space<vmem>>
      %dma_wait3A_139 = arith.constant 0 : i32
      %dma_wait3A_140 = tpu.memref_slice %arg7[%dma_wait3A_139] : memref<10240xf32, #tpu.memory_space<vmem_shared>> -> memref<10240xf32, #tpu.memory_space<vmem_shared>>
      tpu.wait_indirect_dma semaphore(%arg8 : memref<!tpu.dma_semaphore, #tpu.memory_space<semaphore_mem>>) src(%arg5 : memref<128xf32, #tpu.memory_space<vmem>>) dst(%dma_wait3A_140 : memref<10240xf32, #tpu.memory_space<vmem_shared>>)
      %mul3A_141 = arith.constant 8 : i32
      %mul3A_142 = arith.muli %scan3A_25, %mul3A_141 : i32
      %add3A_143 = arith.constant 5 : i32
      %add3A_144 = arith.addi %mul3A_142, %add3A_143 : i32
      %dma_wait3A_145 = arith.constant 0 : i32
      %dma_wait3A_146 = tpu.memref_slice %arg4[%add3A_144, %dma_wait3A_145] : memref<80x128xi32, #tpu.memory_space<vmem>> -> memref<1x128xi32, #tpu.memory_space<vmem>>
      %dma_wait3A_147 = tpu.memref_squeeze %dma_wait3A_146 : memref<1x128xi32, #tpu.memory_space<vmem>> -> memref<128xi32, #tpu.memory_space<vmem>>
      %dma_wait3A_148 = arith.constant 0 : i32
      %dma_wait3A_149 = tpu.memref_slice %arg7[%dma_wait3A_148] : memref<10240xf32, #tpu.memory_space<vmem_shared>> -> memref<10240xf32, #tpu.memory_space<vmem_shared>>
      tpu.wait_indirect_dma semaphore(%arg8 : memref<!tpu.dma_semaphore, #tpu.memory_space<semaphore_mem>>) src(%arg5 : memref<128xf32, #tpu.memory_space<vmem>>) dst(%dma_wait3A_149 : memref<10240xf32, #tpu.memory_space<vmem_shared>>)
      %mul3A_150 = arith.constant 8 : i32
      %mul3A_151 = arith.muli %scan3A_25, %mul3A_150 : i32
      %add3A_152 = arith.constant 6 : i32
      %add3A_153 = arith.addi %mul3A_151, %add3A_152 : i32
      %dma_wait3A_154 = arith.constant 0 : i32
      %dma_wait3A_155 = tpu.memref_slice %arg4[%add3A_153, %dma_wait3A_154] : memref<80x128xi32, #tpu.memory_space<vmem>> -> memref<1x128xi32, #tpu.memory_space<vmem>>
      %dma_wait3A_156 = tpu.memref_squeeze %dma_wait3A_155 : memref<1x128xi32, #tpu.memory_space<vmem>> -> memref<128xi32, #tpu.memory_space<vmem>>
      %dma_wait3A_157 = arith.constant 0 : i32
      %dma_wait3A_158 = tpu.memref_slice %arg7[%dma_wait3A_157] : memref<10240xf32, #tpu.memory_space<vmem_shared>> -> memref<10240xf32, #tpu.memory_space<vmem_shared>>
      tpu.wait_indirect_dma semaphore(%arg8 : memref<!tpu.dma_semaphore, #tpu.memory_space<semaphore_mem>>) src(%arg5 : memref<128xf32, #tpu.memory_space<vmem>>) dst(%dma_wait3A_158 : memref<10240xf32, #tpu.memory_space<vmem_shared>>)
      %mul3A_159 = arith.constant 8 : i32
      %mul3A_160 = arith.muli %scan3A_25, %mul3A_159 : i32
      %add3A_161 = arith.constant 7 : i32
      %add3A_162 = arith.addi %mul3A_160, %add3A_161 : i32
      %dma_wait3A_163 = arith.constant 0 : i32
      %dma_wait3A_164 = tpu.memref_slice %arg4[%add3A_162, %dma_wait3A_163] : memref<80x128xi32, #tpu.memory_space<vmem>> -> memref<1x128xi32, #tpu.memory_space<vmem>>
      %dma_wait3A_165 = tpu.memref_squeeze %dma_wait3A_164 : memref<1x128xi32, #tpu.memory_space<vmem>> -> memref<128xi32, #tpu.memory_space<vmem>>
      %dma_wait3A_166 = arith.constant 0 : i32
      %dma_wait3A_167 = tpu.memref_slice %arg7[%dma_wait3A_166] : memref<10240xf32, #tpu.memory_space<vmem_shared>> -> memref<10240xf32, #tpu.memory_space<vmem_shared>>
      tpu.wait_indirect_dma semaphore(%arg8 : memref<!tpu.dma_semaphore, #tpu.memory_space<semaphore_mem>>) src(%arg5 : memref<128xf32, #tpu.memory_space<vmem>>) dst(%dma_wait3A_167 : memref<10240xf32, #tpu.memory_space<vmem_shared>>)
    }
    %scan3A_19 = arith.constant 10 : i32
    %barrier3A_20 = arith.constant 0 : index
    tpu.barrier barrier_id(%barrier3A_20)
    %mul3A_21 = arith.constant 640 : i32
    %mul3A_22 = arith.muli %arg1, %mul3A_21 : i32
    %mul3A_23 = arith.constant 640 : i32
    %mul3A_24 = arith.muli %arg1, %mul3A_23 : i32
    "tpu.region"() ({
      %run_scoped3A_25 = tpu.sem_alloc : memref<!tpu.dma_semaphore, #tpu.memory_space<semaphore_mem>>
      %dma_start3A = tpu.memref_slice %arg3[%arg0, %mul3A_24] : memref<2x10240xf32, #tpu.memory_space<hbm>> -> memref<1x640xf32, #tpu.memory_space<hbm>>
      %dma_start3A_26 = tpu.memref_squeeze %dma_start3A : memref<1x640xf32, #tpu.memory_space<hbm>> -> memref<640xf32, #tpu.memory_space<hbm>>
      %dma_start3A_27 = tpu.memref_slice %arg7[%mul3A_22] : memref<10240xf32, #tpu.memory_space<vmem_shared>> -> memref<640xf32, #tpu.memory_space<vmem_shared>>
      tpu.enqueue_dma source(%dma_start3A_27 : memref<640xf32, #tpu.memory_space<vmem_shared>>) target(%dma_start3A_26 : memref<640xf32, #tpu.memory_space<hbm>>) target_semaphore(%run_scoped3A_25 : memref<!tpu.dma_semaphore, #tpu.memory_space<semaphore_mem>>)
      %dma_wait3A = tpu.memref_slice %arg3[%arg0, %mul3A_24] : memref<2x10240xf32, #tpu.memory_space<hbm>> -> memref<1x640xf32, #tpu.memory_space<hbm>>
      %dma_wait3A_28 = tpu.memref_squeeze %dma_wait3A : memref<1x640xf32, #tpu.memory_space<hbm>> -> memref<640xf32, #tpu.memory_space<hbm>>
      %dma_wait3A_29 = tpu.memref_slice %arg7[%mul3A_22] : memref<10240xf32, #tpu.memory_space<vmem_shared>> -> memref<640xf32, #tpu.memory_space<vmem_shared>>
      tpu.wait_dma2 semaphore(%run_scoped3A_25 : memref<!tpu.dma_semaphore, #tpu.memory_space<semaphore_mem>>) src(%dma_wait3A_29 : memref<640xf32, #tpu.memory_space<vmem_shared>>) dst(%dma_wait3A_28 : memref<640xf32, #tpu.memory_space<hbm>>)
      tpu.yield
    }) : () -> ()
    return
  }
}

#map = affine_map<(d0, d1) -> (0, 0)>
#map1 = affine_map<(d0, d1) -> (0, 0, 0, 0)>
#map2 = affine_map<(d0, d1) -> (0, 0, 0)>
module attributes {stable_mosaic.version = 14 : i64} {
  func.func @_scat_body(%arg0: i32, %arg1: i32, %arg2: memref<10240x128xf32, #tpu.memory_space<hbm>>, %arg3: memref<2x32x80x128xi32, #tpu.memory_space<hbm>>, %arg4: memref<2x10240x128xf32, #tpu.memory_space<hbm>>, %arg5: memref<2x128xi32, #tpu.memory_space<vmem>>, %arg6: memref<2x128xi32, #tpu.memory_space<vmem>>, %arg7: memref<2x128x128xf32, #tpu.memory_space<vmem>>, %arg8: memref<64x128xf32, #tpu.memory_space<vmem>>, %arg9: memref<10240x128xf32, #tpu.memory_space<vmem_shared>>, %arg10: memref<!tpu.dma_semaphore, #tpu.memory_space<semaphore_mem>>, %arg11: memref<!tpu.dma_semaphore, #tpu.memory_space<semaphore_mem>>, %arg12: memref<!tpu.dma_semaphore, #tpu.memory_space<semaphore_mem>>, %arg13: memref<!tpu.dma_semaphore, #tpu.memory_space<semaphore_mem>>) attributes {dimension_semantics = [#tpu.dimension_semantics<core_parallel>, #tpu.dimension_semantics<subcore_parallel>], iteration_bounds = array<i64: 2, 16>, scalar_prefetch = 0 : i64, scratch_operands = 9 : i64, tpu.core_type = #tpu.core_type<sc_vector_subcore>, window_params = [{transform_indices = #map}, {transform_indices = #map1}, {transform_indices = #map2}]} {
    %mul3A = arith.constant 16 : i32
    %mul3A_0 = arith.muli %arg0, %mul3A : i32
    %add3A = arith.addi %mul3A_0, %arg1 : i32
    %eq3A = arith.constant 0 : i32
    %eq3A_1 = arith.cmpi eq, %arg0, %eq3A : i32
    %convert_element_type3A = arith.extui %eq3A_1 : i1 to i32
    %cond3A = arith.constant 0 : i32
    %cond3A_2 = arith.cmpi ne, %convert_element_type3A, %cond3A : i32
    scf.if %cond3A_2 {
      %mul3A_117 = arith.constant 640 : i32
      %mul3A_118 = arith.muli %arg1, %mul3A_117 : i32
      %mul3A_119 = arith.constant 640 : i32
      %mul3A_120 = arith.muli %arg1, %mul3A_119 : i32
      "tpu.region"() ({
        %run_scoped3A = tpu.sem_alloc : memref<!tpu.dma_semaphore, #tpu.memory_space<semaphore_mem>>
        %dma_start3A_121 = arith.constant 0 : i32
        %dma_start3A_122 = tpu.memref_slice %arg9[%mul3A_120, %dma_start3A_121] : memref<10240x128xf32, #tpu.memory_space<vmem_shared>> -> memref<640x128xf32, #tpu.memory_space<vmem_shared>>
        %dma_start3A_123 = arith.constant 0 : i32
        %dma_start3A_124 = tpu.memref_slice %arg2[%mul3A_118, %dma_start3A_123] : memref<10240x128xf32, #tpu.memory_space<hbm>> -> memref<640x128xf32, #tpu.memory_space<hbm>>
        tpu.enqueue_dma source(%dma_start3A_124 : memref<640x128xf32, #tpu.memory_space<hbm>>) target(%dma_start3A_122 : memref<640x128xf32, #tpu.memory_space<vmem_shared>>) target_semaphore(%run_scoped3A : memref<!tpu.dma_semaphore, #tpu.memory_space<semaphore_mem>>)
        %dma_wait3A_125 = arith.constant 0 : i32
        %dma_wait3A_126 = tpu.memref_slice %arg9[%mul3A_120, %dma_wait3A_125] : memref<10240x128xf32, #tpu.memory_space<vmem_shared>> -> memref<640x128xf32, #tpu.memory_space<vmem_shared>>
        %dma_wait3A_127 = arith.constant 0 : i32
        %dma_wait3A_128 = tpu.memref_slice %arg2[%mul3A_118, %dma_wait3A_127] : memref<10240x128xf32, #tpu.memory_space<hbm>> -> memref<640x128xf32, #tpu.memory_space<hbm>>
        tpu.wait_dma2 semaphore(%run_scoped3A : memref<!tpu.dma_semaphore, #tpu.memory_space<semaphore_mem>>) src(%dma_wait3A_128 : memref<640x128xf32, #tpu.memory_space<hbm>>) dst(%dma_wait3A_126 : memref<640x128xf32, #tpu.memory_space<vmem_shared>>)
        tpu.yield
      }) : () -> ()
    } else {
    }
    %ne3A = arith.constant 0 : i32
    %ne3A_3 = arith.cmpi ne, %arg0, %ne3A : i32
    %convert_element_type3A_4 = arith.extui %ne3A_3 : i1 to i32
    %cond3A_5 = arith.constant 0 : i32
    %cond3A_6 = arith.cmpi ne, %convert_element_type3A_4, %cond3A_5 : i32
    scf.if %cond3A_6 {
      %scan3A_117 = arith.constant 0 : i32
      %scan3A_118 = arith.constant 0 : i32
      %scan3A_119 = arith.constant 64 : i32
      %scan3A_120 = arith.addi %scan3A_118, %scan3A_119 : i32
      %scan3A_121 = arith.constant 1 : i32
      scf.for %scan3A_129 = %scan3A_118 to %scan3A_120 step %scan3A_121  : i32 {
        %broadcast_in_dim3A = arith.constant 0.000000e+00 : f32
        %broadcast_in_dim3A_130 = vector.broadcast %broadcast_in_dim3A : f32 to vector<16xf32>
        %swap3A = arith.index_cast %scan3A_129 : i32 to index
        %swap3A_131 = arith.constant 0 : index
        %swap3A_132 = tpu.vector_load %arg8[%swap3A, %swap3A_131] {strides = array<i32>} : memref<64x128xf32, #tpu.memory_space<vmem>>, vector<1x16xf32>,
        %swap3A_133 = vector.shape_cast %swap3A_132 : vector<1x16xf32> to vector<16xf32>
        %swap3A_134 = vector.shape_cast %broadcast_in_dim3A_130 : vector<16xf32> to vector<1x16xf32>
        tpu.vector_store %arg8[%swap3A, %swap3A_131], %swap3A_134 {strides = array<i32>} : memref<64x128xf32, #tpu.memory_space<vmem>>, vector<1x16xf32>,
        %broadcast_in_dim3A_135 = arith.constant 0.000000e+00 : f32
        %broadcast_in_dim3A_136 = vector.broadcast %broadcast_in_dim3A_135 : f32 to vector<16xf32>
        %swap3A_137 = arith.index_cast %scan3A_129 : i32 to index
        %swap3A_138 = arith.constant 16 : index
        %swap3A_139 = tpu.vector_load %arg8[%swap3A_137, %swap3A_138] {strides = array<i32>} : memref<64x128xf32, #tpu.memory_space<vmem>>, vector<1x16xf32>,
        %swap3A_140 = vector.shape_cast %swap3A_139 : vector<1x16xf32> to vector<16xf32>
        %swap3A_141 = vector.shape_cast %broadcast_in_dim3A_136 : vector<16xf32> to vector<1x16xf32>
        tpu.vector_store %arg8[%swap3A_137, %swap3A_138], %swap3A_141 {strides = array<i32>} : memref<64x128xf32, #tpu.memory_space<vmem>>, vector<1x16xf32>,
        %broadcast_in_dim3A_142 = arith.constant 0.000000e+00 : f32
        %broadcast_in_dim3A_143 = vector.broadcast %broadcast_in_dim3A_142 : f32 to vector<16xf32>
        %swap3A_144 = arith.index_cast %scan3A_129 : i32 to index
        %swap3A_145 = arith.constant 32 : index
        %swap3A_146 = tpu.vector_load %arg8[%swap3A_144, %swap3A_145] {strides = array<i32>} : memref<64x128xf32, #tpu.memory_space<vmem>>, vector<1x16xf32>,
        %swap3A_147 = vector.shape_cast %swap3A_146 : vector<1x16xf32> to vector<16xf32>
        %swap3A_148 = vector.shape_cast %broadcast_in_dim3A_143 : vector<16xf32> to vector<1x16xf32>
        tpu.vector_store %arg8[%swap3A_144, %swap3A_145], %swap3A_148 {strides = array<i32>} : memref<64x128xf32, #tpu.memory_space<vmem>>, vector<1x16xf32>,
        %broadcast_in_dim3A_149 = arith.constant 0.000000e+00 : f32
        %broadcast_in_dim3A_150 = vector.broadcast %broadcast_in_dim3A_149 : f32 to vector<16xf32>
        %swap3A_151 = arith.index_cast %scan3A_129 : i32 to index
        %swap3A_152 = arith.constant 48 : index
        %swap3A_153 = tpu.vector_load %arg8[%swap3A_151, %swap3A_152] {strides = array<i32>} : memref<64x128xf32, #tpu.memory_space<vmem>>, vector<1x16xf32>,
        %swap3A_154 = vector.shape_cast %swap3A_153 : vector<1x16xf32> to vector<16xf32>
        %swap3A_155 = vector.shape_cast %broadcast_in_dim3A_150 : vector<16xf32> to vector<1x16xf32>
        tpu.vector_store %arg8[%swap3A_151, %swap3A_152], %swap3A_155 {strides = array<i32>} : memref<64x128xf32, #tpu.memory_space<vmem>>, vector<1x16xf32>,
        %broadcast_in_dim3A_156 = arith.constant 0.000000e+00 : f32
        %broadcast_in_dim3A_157 = vector.broadcast %broadcast_in_dim3A_156 : f32 to vector<16xf32>
        %swap3A_158 = arith.index_cast %scan3A_129 : i32 to index
        %swap3A_159 = arith.constant 64 : index
        %swap3A_160 = tpu.vector_load %arg8[%swap3A_158, %swap3A_159] {strides = array<i32>} : memref<64x128xf32, #tpu.memory_space<vmem>>, vector<1x16xf32>,
        %swap3A_161 = vector.shape_cast %swap3A_160 : vector<1x16xf32> to vector<16xf32>
        %swap3A_162 = vector.shape_cast %broadcast_in_dim3A_157 : vector<16xf32> to vector<1x16xf32>
        tpu.vector_store %arg8[%swap3A_158, %swap3A_159], %swap3A_162 {strides = array<i32>} : memref<64x128xf32, #tpu.memory_space<vmem>>, vector<1x16xf32>,
        %broadcast_in_dim3A_163 = arith.constant 0.000000e+00 : f32
        %broadcast_in_dim3A_164 = vector.broadcast %broadcast_in_dim3A_163 : f32 to vector<16xf32>
        %swap3A_165 = arith.index_cast %scan3A_129 : i32 to index
        %swap3A_166 = arith.constant 80 : index
        %swap3A_167 = tpu.vector_load %arg8[%swap3A_165, %swap3A_166] {strides = array<i32>} : memref<64x128xf32, #tpu.memory_space<vmem>>, vector<1x16xf32>,
        %swap3A_168 = vector.shape_cast %swap3A_167 : vector<1x16xf32> to vector<16xf32>
        %swap3A_169 = vector.shape_cast %broadcast_in_dim3A_164 : vector<16xf32> to vector<1x16xf32>
        tpu.vector_store %arg8[%swap3A_165, %swap3A_166], %swap3A_169 {strides = array<i32>} : memref<64x128xf32, #tpu.memory_space<vmem>>, vector<1x16xf32>,
        %broadcast_in_dim3A_170 = arith.constant 0.000000e+00 : f32
        %broadcast_in_dim3A_171 = vector.broadcast %broadcast_in_dim3A_170 : f32 to vector<16xf32>
        %swap3A_172 = arith.index_cast %scan3A_129 : i32 to index
        %swap3A_173 = arith.constant 96 : index
        %swap3A_174 = tpu.vector_load %arg8[%swap3A_172, %swap3A_173] {strides = array<i32>} : memref<64x128xf32, #tpu.memory_space<vmem>>, vector<1x16xf32>,
        %swap3A_175 = vector.shape_cast %swap3A_174 : vector<1x16xf32> to vector<16xf32>
        %swap3A_176 = vector.shape_cast %broadcast_in_dim3A_171 : vector<16xf32> to vector<1x16xf32>
        tpu.vector_store %arg8[%swap3A_172, %swap3A_173], %swap3A_176 {strides = array<i32>} : memref<64x128xf32, #tpu.memory_space<vmem>>, vector<1x16xf32>,
        %broadcast_in_dim3A_177 = arith.constant 0.000000e+00 : f32
        %broadcast_in_dim3A_178 = vector.broadcast %broadcast_in_dim3A_177 : f32 to vector<16xf32>
        %swap3A_179 = arith.index_cast %scan3A_129 : i32 to index
        %swap3A_180 = arith.constant 112 : index
        %swap3A_181 = tpu.vector_load %arg8[%swap3A_179, %swap3A_180] {strides = array<i32>} : memref<64x128xf32, #tpu.memory_space<vmem>>, vector<1x16xf32>,
        %swap3A_182 = vector.shape_cast %swap3A_181 : vector<1x16xf32> to vector<16xf32>
        %swap3A_183 = vector.shape_cast %broadcast_in_dim3A_178 : vector<16xf32> to vector<1x16xf32>
        tpu.vector_store %arg8[%swap3A_179, %swap3A_180], %swap3A_183 {strides = array<i32>} : memref<64x128xf32, #tpu.memory_space<vmem>>, vector<1x16xf32>,
      }
      %scan3A_122 = arith.constant 64 : i32
      %scan3A_123 = arith.constant 0 : i32
      %scan3A_124 = arith.constant 0 : i32
      %scan3A_125 = arith.constant 10 : i32
      %scan3A_126 = arith.addi %scan3A_124, %scan3A_125 : i32
      %scan3A_127 = arith.constant 1 : i32
      scf.for %scan3A_129 = %scan3A_124 to %scan3A_126 step %scan3A_127  : i32 {
        %mul3A_130 = arith.constant 640 : i32
        %mul3A_131 = arith.muli %arg1, %mul3A_130 : i32
        %mul3A_132 = arith.constant 64 : i32
        %mul3A_133 = arith.muli %scan3A_129, %mul3A_132 : i32
        %add3A_134 = arith.addi %mul3A_131, %mul3A_133 : i32
        "tpu.region"() ({
          %run_scoped3A = tpu.sem_alloc : memref<!tpu.dma_semaphore, #tpu.memory_space<semaphore_mem>>
          %dma_start3A_135 = arith.constant 0 : i32
          %dma_start3A_136 = tpu.memref_slice %arg9[%add3A_134, %dma_start3A_135] : memref<10240x128xf32, #tpu.memory_space<vmem_shared>> -> memref<64x128xf32, #tpu.memory_space<vmem_shared>>
          %dma_start3A_137 = arith.constant 0 : i32
          %dma_start3A_138 = tpu.memref_slice %arg9[%add3A_134, %dma_start3A_137] : memref<10240x128xf32, #tpu.memory_space<vmem_shared>> -> memref<64x128xf32, #tpu.memory_space<vmem_shared>>
          tpu.enqueue_dma source(%arg8 : memref<64x128xf32, #tpu.memory_space<vmem>>) target(%dma_start3A_138 : memref<64x128xf32, #tpu.memory_space<vmem_shared>>) target_semaphore(%run_scoped3A : memref<!tpu.dma_semaphore, #tpu.memory_space<semaphore_mem>>)
          %dma_wait3A_139 = arith.constant 0 : i32
          %dma_wait3A_140 = tpu.memref_slice %arg9[%add3A_134, %dma_wait3A_139] : memref<10240x128xf32, #tpu.memory_space<vmem_shared>> -> memref<64x128xf32, #tpu.memory_space<vmem_shared>>
          %dma_wait3A_141 = arith.constant 0 : i32
          %dma_wait3A_142 = tpu.memref_slice %arg9[%add3A_134, %dma_wait3A_141] : memref<10240x128xf32, #tpu.memory_space<vmem_shared>> -> memref<64x128xf32, #tpu.memory_space<vmem_shared>>
          tpu.wait_dma2 semaphore(%run_scoped3A : memref<!tpu.dma_semaphore, #tpu.memory_space<semaphore_mem>>) src(%arg8 : memref<64x128xf32, #tpu.memory_space<vmem>>) dst(%dma_wait3A_142 : memref<64x128xf32, #tpu.memory_space<vmem_shared>>)
          tpu.yield
        }) : () -> ()
      }
      %scan3A_128 = arith.constant 10 : i32
    } else {
    }
    %barrier3A = arith.constant 0 : index
    tpu.barrier barrier_id(%barrier3A)
    %dma_start3A = arith.constant 0 : i32
    %dma_start3A_7 = arith.constant 0 : i32
    %dma_start3A_8 = arith.constant 0 : i32
    %dma_start3A_9 = arith.constant 0 : i32
    %dma_start3A_10 = tpu.memref_slice %arg5[%dma_start3A_8, %dma_start3A_9] : memref<2x128xi32, #tpu.memory_space<vmem>> -> memref<1x128xi32, #tpu.memory_space<vmem>>
    %dma_start3A_11 = tpu.memref_squeeze %dma_start3A_10 : memref<1x128xi32, #tpu.memory_space<vmem>> -> memref<128xi32, #tpu.memory_space<vmem>>
    %dma_start3A_12 = arith.constant 0 : i32
    %dma_start3A_13 = tpu.memref_slice %arg3[%dma_start3A, %add3A, %dma_start3A_7, %dma_start3A_12] : memref<2x32x80x128xi32, #tpu.memory_space<hbm>> -> memref<1x1x1x128xi32, #tpu.memory_space<hbm>>
    %dma_start3A_14 = tpu.memref_squeeze %dma_start3A_13 : memref<1x1x1x128xi32, #tpu.memory_space<hbm>> -> memref<128xi32, #tpu.memory_space<hbm>>
    %dma_start3A_15 = arith.constant 0 : i32
    %dma_start3A_16 = tpu.memref_slice %arg5[%dma_start3A_8, %dma_start3A_15] : memref<2x128xi32, #tpu.memory_space<vmem>> -> memref<1x128xi32, #tpu.memory_space<vmem>>
    %dma_start3A_17 = tpu.memref_squeeze %dma_start3A_16 : memref<1x128xi32, #tpu.memory_space<vmem>> -> memref<128xi32, #tpu.memory_space<vmem>>
    %dma_start3A_18 = arith.constant 0 : i32
    %dma_start3A_19 = tpu.memref_slice %arg3[%dma_start3A, %add3A, %dma_start3A_7, %dma_start3A_18] : memref<2x32x80x128xi32, #tpu.memory_space<hbm>> -> memref<1x1x1x128xi32, #tpu.memory_space<hbm>>
    %dma_start3A_20 = tpu.memref_squeeze %dma_start3A_19 : memref<1x1x1x128xi32, #tpu.memory_space<hbm>> -> memref<128xi32, #tpu.memory_space<hbm>>
    tpu.enqueue_dma source(%dma_start3A_20 : memref<128xi32, #tpu.memory_space<hbm>>) target(%dma_start3A_17 : memref<128xi32, #tpu.memory_space<vmem>>) target_semaphore(%arg10 : memref<!tpu.dma_semaphore, #tpu.memory_space<semaphore_mem>>)
    %dma_start3A_21 = arith.constant 1 : i32
    %dma_start3A_22 = arith.constant 0 : i32
    %dma_start3A_23 = arith.constant 0 : i32
    %dma_start3A_24 = arith.constant 0 : i32
    %dma_start3A_25 = tpu.memref_slice %arg6[%dma_start3A_23, %dma_start3A_24] : memref<2x128xi32, #tpu.memory_space<vmem>> -> memref<1x128xi32, #tpu.memory_space<vmem>>
    %dma_start3A_26 = tpu.memref_squeeze %dma_start3A_25 : memref<1x128xi32, #tpu.memory_space<vmem>> -> memref<128xi32, #tpu.memory_space<vmem>>
    %dma_start3A_27 = arith.constant 0 : i32
    %dma_start3A_28 = tpu.memref_slice %arg3[%dma_start3A_21, %add3A, %dma_start3A_22, %dma_start3A_27] : memref<2x32x80x128xi32, #tpu.memory_space<hbm>> -> memref<1x1x1x128xi32, #tpu.memory_space<hbm>>
    %dma_start3A_29 = tpu.memref_squeeze %dma_start3A_28 : memref<1x1x1x128xi32, #tpu.memory_space<hbm>> -> memref<128xi32, #tpu.memory_space<hbm>>
    %dma_start3A_30 = arith.constant 0 : i32
    %dma_start3A_31 = tpu.memref_slice %arg6[%dma_start3A_23, %dma_start3A_30] : memref<2x128xi32, #tpu.memory_space<vmem>> -> memref<1x128xi32, #tpu.memory_space<vmem>>
    %dma_start3A_32 = tpu.memref_squeeze %dma_start3A_31 : memref<1x128xi32, #tpu.memory_space<vmem>> -> memref<128xi32, #tpu.memory_space<vmem>>
    %dma_start3A_33 = arith.constant 0 : i32
    %dma_start3A_34 = tpu.memref_slice %arg3[%dma_start3A_21, %add3A, %dma_start3A_22, %dma_start3A_33] : memref<2x32x80x128xi32, #tpu.memory_space<hbm>> -> memref<1x1x1x128xi32, #tpu.memory_space<hbm>>
    %dma_start3A_35 = tpu.memref_squeeze %dma_start3A_34 : memref<1x1x1x128xi32, #tpu.memory_space<hbm>> -> memref<128xi32, #tpu.memory_space<hbm>>
    tpu.enqueue_dma source(%dma_start3A_35 : memref<128xi32, #tpu.memory_space<hbm>>) target(%dma_start3A_32 : memref<128xi32, #tpu.memory_space<vmem>>) target_semaphore(%arg10 : memref<!tpu.dma_semaphore, #tpu.memory_space<semaphore_mem>>)
    %dma_start3A_36 = arith.constant 0 : i32
    %dma_start3A_37 = arith.constant 1 : i32
    %dma_start3A_38 = arith.constant 1 : i32
    %dma_start3A_39 = arith.constant 0 : i32
    %dma_start3A_40 = tpu.memref_slice %arg5[%dma_start3A_38, %dma_start3A_39] : memref<2x128xi32, #tpu.memory_space<vmem>> -> memref<1x128xi32, #tpu.memory_space<vmem>>
    %dma_start3A_41 = tpu.memref_squeeze %dma_start3A_40 : memref<1x128xi32, #tpu.memory_space<vmem>> -> memref<128xi32, #tpu.memory_space<vmem>>
    %dma_start3A_42 = arith.constant 0 : i32
    %dma_start3A_43 = tpu.memref_slice %arg3[%dma_start3A_36, %add3A, %dma_start3A_37, %dma_start3A_42] : memref<2x32x80x128xi32, #tpu.memory_space<hbm>> -> memref<1x1x1x128xi32, #tpu.memory_space<hbm>>
    %dma_start3A_44 = tpu.memref_squeeze %dma_start3A_43 : memref<1x1x1x128xi32, #tpu.memory_space<hbm>> -> memref<128xi32, #tpu.memory_space<hbm>>
    %dma_start3A_45 = arith.constant 0 : i32
    %dma_start3A_46 = tpu.memref_slice %arg5[%dma_start3A_38, %dma_start3A_45] : memref<2x128xi32, #tpu.memory_space<vmem>> -> memref<1x128xi32, #tpu.memory_space<vmem>>
    %dma_start3A_47 = tpu.memref_squeeze %dma_start3A_46 : memref<1x128xi32, #tpu.memory_space<vmem>> -> memref<128xi32, #tpu.memory_space<vmem>>
    %dma_start3A_48 = arith.constant 0 : i32
    %dma_start3A_49 = tpu.memref_slice %arg3[%dma_start3A_36, %add3A, %dma_start3A_37, %dma_start3A_48] : memref<2x32x80x128xi32, #tpu.memory_space<hbm>> -> memref<1x1x1x128xi32, #tpu.memory_space<hbm>>
    %dma_start3A_50 = tpu.memref_squeeze %dma_start3A_49 : memref<1x1x1x128xi32, #tpu.memory_space<hbm>> -> memref<128xi32, #tpu.memory_space<hbm>>
    tpu.enqueue_dma source(%dma_start3A_50 : memref<128xi32, #tpu.memory_space<hbm>>) target(%dma_start3A_47 : memref<128xi32, #tpu.memory_space<vmem>>) target_semaphore(%arg11 : memref<!tpu.dma_semaphore, #tpu.memory_space<semaphore_mem>>)
    %dma_start3A_51 = arith.constant 1 : i32
    %dma_start3A_52 = arith.constant 1 : i32
    %dma_start3A_53 = arith.constant 1 : i32
    %dma_start3A_54 = arith.constant 0 : i32
    %dma_start3A_55 = tpu.memref_slice %arg6[%dma_start3A_53, %dma_start3A_54] : memref<2x128xi32, #tpu.memory_space<vmem>> -> memref<1x128xi32, #tpu.memory_space<vmem>>
    %dma_start3A_56 = tpu.memref_squeeze %dma_start3A_55 : memref<1x128xi32, #tpu.memory_space<vmem>> -> memref<128xi32, #tpu.memory_space<vmem>>
    %dma_start3A_57 = arith.constant 0 : i32
    %dma_start3A_58 = tpu.memref_slice %arg3[%dma_start3A_51, %add3A, %dma_start3A_52, %dma_start3A_57] : memref<2x32x80x128xi32, #tpu.memory_space<hbm>> -> memref<1x1x1x128xi32, #tpu.memory_space<hbm>>
    %dma_start3A_59 = tpu.memref_squeeze %dma_start3A_58 : memref<1x1x1x128xi32, #tpu.memory_space<hbm>> -> memref<128xi32, #tpu.memory_space<hbm>>
    %dma_start3A_60 = arith.constant 0 : i32
    %dma_start3A_61 = tpu.memref_slice %arg6[%dma_start3A_53, %dma_start3A_60] : memref<2x128xi32, #tpu.memory_space<vmem>> -> memref<1x128xi32, #tpu.memory_space<vmem>>
    %dma_start3A_62 = tpu.memref_squeeze %dma_start3A_61 : memref<1x128xi32, #tpu.memory_space<vmem>> -> memref<128xi32, #tpu.memory_space<vmem>>
    %dma_start3A_63 = arith.constant 0 : i32
    %dma_start3A_64 = tpu.memref_slice %arg3[%dma_start3A_51, %add3A, %dma_start3A_52, %dma_start3A_63] : memref<2x32x80x128xi32, #tpu.memory_space<hbm>> -> memref<1x1x1x128xi32, #tpu.memory_space<hbm>>
    %dma_start3A_65 = tpu.memref_squeeze %dma_start3A_64 : memref<1x1x1x128xi32, #tpu.memory_space<hbm>> -> memref<128xi32, #tpu.memory_space<hbm>>
    tpu.enqueue_dma source(%dma_start3A_65 : memref<128xi32, #tpu.memory_space<hbm>>) target(%dma_start3A_62 : memref<128xi32, #tpu.memory_space<vmem>>) target_semaphore(%arg11 : memref<!tpu.dma_semaphore, #tpu.memory_space<semaphore_mem>>)
    %dma_wait3A = arith.constant 0 : i32
    %dma_wait3A_66 = arith.constant 0 : i32
    %dma_wait3A_67 = arith.constant 0 : i32
    %dma_wait3A_68 = arith.constant 0 : i32
    %dma_wait3A_69 = tpu.memref_slice %arg5[%dma_wait3A_67, %dma_wait3A_68] : memref<2x128xi32, #tpu.memory_space<vmem>> -> memref<1x128xi32, #tpu.memory_space<vmem>>
    %dma_wait3A_70 = tpu.memref_squeeze %dma_wait3A_69 : memref<1x128xi32, #tpu.memory_space<vmem>> -> memref<128xi32, #tpu.memory_space<vmem>>
    %dma_wait3A_71 = arith.constant 0 : i32
    %dma_wait3A_72 = tpu.memref_slice %arg3[%dma_wait3A, %add3A, %dma_wait3A_66, %dma_wait3A_71] : memref<2x32x80x128xi32, #tpu.memory_space<hbm>> -> memref<1x1x1x128xi32, #tpu.memory_space<hbm>>
    %dma_wait3A_73 = tpu.memref_squeeze %dma_wait3A_72 : memref<1x1x1x128xi32, #tpu.memory_space<hbm>> -> memref<128xi32, #tpu.memory_space<hbm>>
    %dma_wait3A_74 = arith.constant 0 : i32
    %dma_wait3A_75 = tpu.memref_slice %arg5[%dma_wait3A_67, %dma_wait3A_74] : memref<2x128xi32, #tpu.memory_space<vmem>> -> memref<1x128xi32, #tpu.memory_space<vmem>>
    %dma_wait3A_76 = tpu.memref_squeeze %dma_wait3A_75 : memref<1x128xi32, #tpu.memory_space<vmem>> -> memref<128xi32, #tpu.memory_space<vmem>>
    %dma_wait3A_77 = arith.constant 0 : i32
    %dma_wait3A_78 = tpu.memref_slice %arg3[%dma_wait3A, %add3A, %dma_wait3A_66, %dma_wait3A_77] : memref<2x32x80x128xi32, #tpu.memory_space<hbm>> -> memref<1x1x1x128xi32, #tpu.memory_space<hbm>>
    %dma_wait3A_79 = tpu.memref_squeeze %dma_wait3A_78 : memref<1x1x1x128xi32, #tpu.memory_space<hbm>> -> memref<128xi32, #tpu.memory_space<hbm>>
    tpu.wait_dma2 semaphore(%arg10 : memref<!tpu.dma_semaphore, #tpu.memory_space<semaphore_mem>>) src(%dma_wait3A_79 : memref<128xi32, #tpu.memory_space<hbm>>) dst(%dma_wait3A_76 : memref<128xi32, #tpu.memory_space<vmem>>)
    %dma_wait3A_80 = arith.constant 1 : i32
    %dma_wait3A_81 = arith.constant 0 : i32
    %dma_wait3A_82 = arith.constant 0 : i32
    %dma_wait3A_83 = arith.constant 0 : i32
    %dma_wait3A_84 = tpu.memref_slice %arg6[%dma_wait3A_82, %dma_wait3A_83] : memref<2x128xi32, #tpu.memory_space<vmem>> -> memref<1x128xi32, #tpu.memory_space<vmem>>
    %dma_wait3A_85 = tpu.memref_squeeze %dma_wait3A_84 : memref<1x128xi32, #tpu.memory_space<vmem>> -> memref<128xi32, #tpu.memory_space<vmem>>
    %dma_wait3A_86 = arith.constant 0 : i32
    %dma_wait3A_87 = tpu.memref_slice %arg3[%dma_wait3A_80, %add3A, %dma_wait3A_81, %dma_wait3A_86] : memref<2x32x80x128xi32, #tpu.memory_space<hbm>> -> memref<1x1x1x128xi32, #tpu.memory_space<hbm>>
    %dma_wait3A_88 = tpu.memref_squeeze %dma_wait3A_87 : memref<1x1x1x128xi32, #tpu.memory_space<hbm>> -> memref<128xi32, #tpu.memory_space<hbm>>
    %dma_wait3A_89 = arith.constant 0 : i32
    %dma_wait3A_90 = tpu.memref_slice %arg6[%dma_wait3A_82, %dma_wait3A_89] : memref<2x128xi32, #tpu.memory_space<vmem>> -> memref<1x128xi32, #tpu.memory_space<vmem>>
    %dma_wait3A_91 = tpu.memref_squeeze %dma_wait3A_90 : memref<1x128xi32, #tpu.memory_space<vmem>> -> memref<128xi32, #tpu.memory_space<vmem>>
    %dma_wait3A_92 = arith.constant 0 : i32
    %dma_wait3A_93 = tpu.memref_slice %arg3[%dma_wait3A_80, %add3A, %dma_wait3A_81, %dma_wait3A_92] : memref<2x32x80x128xi32, #tpu.memory_space<hbm>> -> memref<1x1x1x128xi32, #tpu.memory_space<hbm>>
    %dma_wait3A_94 = tpu.memref_squeeze %dma_wait3A_93 : memref<1x1x1x128xi32, #tpu.memory_space<hbm>> -> memref<128xi32, #tpu.memory_space<hbm>>
    tpu.wait_dma2 semaphore(%arg10 : memref<!tpu.dma_semaphore, #tpu.memory_space<semaphore_mem>>) src(%dma_wait3A_94 : memref<128xi32, #tpu.memory_space<hbm>>) dst(%dma_wait3A_91 : memref<128xi32, #tpu.memory_space<vmem>>)
    %dma_start3A_95 = arith.constant 0 : i32
    %dma_start3A_96 = arith.constant 0 : i32
    %dma_start3A_97 = arith.constant 0 : i32
    %dma_start3A_98 = arith.constant 0 : i32
    %dma_start3A_99 = tpu.memref_slice %arg7[%dma_start3A_96, %dma_start3A_97, %dma_start3A_98] : memref<2x128x128xf32, #tpu.memory_space<vmem>> -> memref<1x128x128xf32, #tpu.memory_space<vmem>>
    %dma_start3A_100 = tpu.memref_squeeze %dma_start3A_99 : memref<1x128x128xf32, #tpu.memory_space<vmem>> -> memref<128x128xf32, #tpu.memory_space<vmem>>
    %dma_start3A_101 = arith.constant 0 : i32
    %dma_start3A_102 = tpu.memref_slice %arg5[%dma_start3A_95, %dma_start3A_101] : memref<2x128xi32, #tpu.memory_space<vmem>> -> memref<1x128xi32, #tpu.memory_space<vmem>>
    %dma_start3A_103 = tpu.memref_squeeze %dma_start3A_102 : memref<1x128xi32, #tpu.memory_space<vmem>> -> memref<128xi32, #tpu.memory_space<vmem>>
    %dma_start3A_104 = arith.constant 0 : i32
    %dma_start3A_105 = arith.constant 0 : i32
    %dma_start3A_106 = tpu.memref_slice %arg2[%dma_start3A_104, %dma_start3A_105] : memref<10240x128xf32, #tpu.memory_space<hbm>> -> memref<10240x128xf32, #tpu.memory_space<hbm>>
    tpu.enqueue_indirect_dma source(%dma_start3A_106 : memref<10240x128xf32, #tpu.memory_space<hbm>>) target(%dma_start3A_100 : memref<128x128xf32, #tpu.memory_space<vmem>>) offsets(%dma_start3A_103 : memref<128xi32, #tpu.memory_space<vmem>>) semaphore(%arg12 : memref<!tpu.dma_semaphore, #tpu.memory_space<semaphore_mem>>)
    %scan3A = arith.constant 0 : i32
    %scan3A_107 = arith.constant 0 : i32
    %scan3A_108 = arith.constant 40 : i32
    %scan3A_109 = arith.addi %scan3A_107, %scan3A_108 : i32
    %scan3A_110 = arith.constant 1 : i32
    scf.for %scan3A_117 = %scan3A_107 to %scan3A_109 step %scan3A_110  : i32 {
      %mul3A_118 = arith.constant 2 : i32
      %mul3A_119 = arith.muli %mul3A_118, %scan3A_117 : i32
      %add3A_120 = arith.constant 0 : i32
      %add3A_121 = arith.addi %mul3A_119, %add3A_120 : i32
      %dma_wait3A_122 = arith.constant 0 : i32
      %dma_wait3A_123 = arith.constant 0 : i32
      %dma_wait3A_124 = arith.constant 0 : i32
      %dma_wait3A_125 = arith.constant 0 : i32
      %dma_wait3A_126 = tpu.memref_slice %arg7[%dma_wait3A_123, %dma_wait3A_124, %dma_wait3A_125] : memref<2x128x128xf32, #tpu.memory_space<vmem>> -> memref<1x128x128xf32, #tpu.memory_space<vmem>>
      %dma_wait3A_127 = tpu.memref_squeeze %dma_wait3A_126 : memref<1x128x128xf32, #tpu.memory_space<vmem>> -> memref<128x128xf32, #tpu.memory_space<vmem>>
      %dma_wait3A_128 = arith.constant 0 : i32
      %dma_wait3A_129 = tpu.memref_slice %arg5[%dma_wait3A_122, %dma_wait3A_128] : memref<2x128xi32, #tpu.memory_space<vmem>> -> memref<1x128xi32, #tpu.memory_space<vmem>>
      %dma_wait3A_130 = tpu.memref_squeeze %dma_wait3A_129 : memref<1x128xi32, #tpu.memory_space<vmem>> -> memref<128xi32, #tpu.memory_space<vmem>>
      %dma_wait3A_131 = arith.constant 0 : i32
      %dma_wait3A_132 = arith.constant 0 : i32
      %dma_wait3A_133 = tpu.memref_slice %arg2[%dma_wait3A_131, %dma_wait3A_132] : memref<10240x128xf32, #tpu.memory_space<hbm>> -> memref<10240x128xf32, #tpu.memory_space<hbm>>
      tpu.wait_indirect_dma semaphore(%arg12 : memref<!tpu.dma_semaphore, #tpu.memory_space<semaphore_mem>>) src(%dma_wait3A_133 : memref<10240x128xf32, #tpu.memory_space<hbm>>) dst(%dma_wait3A_127 : memref<128x128xf32, #tpu.memory_space<vmem>>)
      %dma_start3A_134 = arith.constant 0 : i32
      %dma_start3A_135 = arith.constant 0 : i32
      %dma_start3A_136 = arith.constant 0 : i32
      %dma_start3A_137 = arith.constant 0 : i32
      %dma_start3A_138 = tpu.memref_slice %arg7[%dma_start3A_134, %dma_start3A_136, %dma_start3A_137] : memref<2x128x128xf32, #tpu.memory_space<vmem>> -> memref<1x128x128xf32, #tpu.memory_space<vmem>>
      %dma_start3A_139 = tpu.memref_squeeze %dma_start3A_138 : memref<1x128x128xf32, #tpu.memory_space<vmem>> -> memref<128x128xf32, #tpu.memory_space<vmem>>
      %dma_start3A_140 = arith.constant 0 : i32
      %dma_start3A_141 = tpu.memref_slice %arg6[%dma_start3A_135, %dma_start3A_140] : memref<2x128xi32, #tpu.memory_space<vmem>> -> memref<1x128xi32, #tpu.memory_space<vmem>>
      %dma_start3A_142 = tpu.memref_squeeze %dma_start3A_141 : memref<1x128xi32, #tpu.memory_space<vmem>> -> memref<128xi32, #tpu.memory_space<vmem>>
      %dma_start3A_143 = arith.constant 0 : i32
      %dma_start3A_144 = arith.constant 0 : i32
      %dma_start3A_145 = tpu.memref_slice %arg9[%dma_start3A_143, %dma_start3A_144] : memref<10240x128xf32, #tpu.memory_space<vmem_shared>> -> memref<10240x128xf32, #tpu.memory_space<vmem_shared>>
      tpu.enqueue_indirect_dma source(%dma_start3A_139 : memref<128x128xf32, #tpu.memory_space<vmem>>) target(%dma_start3A_145 : memref<10240x128xf32, #tpu.memory_space<vmem_shared>>) offsets(%dma_start3A_142 : memref<128xi32, #tpu.memory_space<vmem>>) semaphore(%arg13 : memref<!tpu.dma_semaphore, #tpu.memory_space<semaphore_mem>>) {add = true}
      %add3A_146 = arith.constant 1 : i32
      %add3A_147 = arith.addi %add3A_121, %add3A_146 : i32
      %lt3A = arith.constant 80 : i32
      %lt3A_148 = arith.cmpi slt, %add3A_147, %lt3A : i32
      %convert_element_type3A_149 = arith.extui %lt3A_148 : i1 to i32
      %cond3A_150 = arith.constant 0 : i32
      %cond3A_151 = arith.cmpi ne, %convert_element_type3A_149, %cond3A_150 : i32
      scf.if %cond3A_151 {
        %dma_wait3A_225 = arith.constant 0 : i32
        %dma_wait3A_226 = arith.constant 0 : i32
        %dma_wait3A_227 = arith.constant 1 : i32
        %dma_wait3A_228 = arith.constant 0 : i32
        %dma_wait3A_229 = tpu.memref_slice %arg5[%dma_wait3A_227, %dma_wait3A_228] : memref<2x128xi32, #tpu.memory_space<vmem>> -> memref<1x128xi32, #tpu.memory_space<vmem>>
        %dma_wait3A_230 = tpu.memref_squeeze %dma_wait3A_229 : memref<1x128xi32, #tpu.memory_space<vmem>> -> memref<128xi32, #tpu.memory_space<vmem>>
        %dma_wait3A_231 = arith.constant 0 : i32
        %dma_wait3A_232 = tpu.memref_slice %arg3[%dma_wait3A_225, %add3A, %dma_wait3A_226, %dma_wait3A_231] : memref<2x32x80x128xi32, #tpu.memory_space<hbm>> -> memref<1x1x1x128xi32, #tpu.memory_space<hbm>>
        %dma_wait3A_233 = tpu.memref_squeeze %dma_wait3A_232 : memref<1x1x1x128xi32, #tpu.memory_space<hbm>> -> memref<128xi32, #tpu.memory_space<hbm>>
        %dma_wait3A_234 = arith.constant 0 : i32
        %dma_wait3A_235 = tpu.memref_slice %arg5[%dma_wait3A_227, %dma_wait3A_234] : memref<2x128xi32, #tpu.memory_space<vmem>> -> memref<1x128xi32, #tpu.memory_space<vmem>>
        %dma_wait3A_236 = tpu.memref_squeeze %dma_wait3A_235 : memref<1x128xi32, #tpu.memory_space<vmem>> -> memref<128xi32, #tpu.memory_space<vmem>>
        %dma_wait3A_237 = arith.constant 0 : i32
        %dma_wait3A_238 = tpu.memref_slice %arg3[%dma_wait3A_225, %add3A, %dma_wait3A_226, %dma_wait3A_237] : memref<2x32x80x128xi32, #tpu.memory_space<hbm>> -> memref<1x1x1x128xi32, #tpu.memory_space<hbm>>
        %dma_wait3A_239 = tpu.memref_squeeze %dma_wait3A_238 : memref<1x1x1x128xi32, #tpu.memory_space<hbm>> -> memref<128xi32, #tpu.memory_space<hbm>>
        tpu.wait_dma2 semaphore(%arg11 : memref<!tpu.dma_semaphore, #tpu.memory_space<semaphore_mem>>) src(%dma_wait3A_239 : memref<128xi32, #tpu.memory_space<hbm>>) dst(%dma_wait3A_236 : memref<128xi32, #tpu.memory_space<vmem>>)
        %dma_wait3A_240 = arith.constant 1 : i32
        %dma_wait3A_241 = arith.constant 0 : i32
        %dma_wait3A_242 = arith.constant 1 : i32
        %dma_wait3A_243 = arith.constant 0 : i32
        %dma_wait3A_244 = tpu.memref_slice %arg6[%dma_wait3A_242, %dma_wait3A_243] : memref<2x128xi32, #tpu.memory_space<vmem>> -> memref<1x128xi32, #tpu.memory_space<vmem>>
        %dma_wait3A_245 = tpu.memref_squeeze %dma_wait3A_244 : memref<1x128xi32, #tpu.memory_space<vmem>> -> memref<128xi32, #tpu.memory_space<vmem>>
        %dma_wait3A_246 = arith.constant 0 : i32
        %dma_wait3A_247 = tpu.memref_slice %arg3[%dma_wait3A_240, %add3A, %dma_wait3A_241, %dma_wait3A_246] : memref<2x32x80x128xi32, #tpu.memory_space<hbm>> -> memref<1x1x1x128xi32, #tpu.memory_space<hbm>>
        %dma_wait3A_248 = tpu.memref_squeeze %dma_wait3A_247 : memref<1x1x1x128xi32, #tpu.memory_space<hbm>> -> memref<128xi32, #tpu.memory_space<hbm>>
        %dma_wait3A_249 = arith.constant 0 : i32
        %dma_wait3A_250 = tpu.memref_slice %arg6[%dma_wait3A_242, %dma_wait3A_249] : memref<2x128xi32, #tpu.memory_space<vmem>> -> memref<1x128xi32, #tpu.memory_space<vmem>>
        %dma_wait3A_251 = tpu.memref_squeeze %dma_wait3A_250 : memref<1x128xi32, #tpu.memory_space<vmem>> -> memref<128xi32, #tpu.memory_space<vmem>>
        %dma_wait3A_252 = arith.constant 0 : i32
        %dma_wait3A_253 = tpu.memref_slice %arg3[%dma_wait3A_240, %add3A, %dma_wait3A_241, %dma_wait3A_252] : memref<2x32x80x128xi32, #tpu.memory_space<hbm>> -> memref<1x1x1x128xi32, #tpu.memory_space<hbm>>
        %dma_wait3A_254 = tpu.memref_squeeze %dma_wait3A_253 : memref<1x1x1x128xi32, #tpu.memory_space<hbm>> -> memref<128xi32, #tpu.memory_space<hbm>>
        tpu.wait_dma2 semaphore(%arg11 : memref<!tpu.dma_semaphore, #tpu.memory_space<semaphore_mem>>) src(%dma_wait3A_254 : memref<128xi32, #tpu.memory_space<hbm>>) dst(%dma_wait3A_251 : memref<128xi32, #tpu.memory_space<vmem>>)
        %dma_start3A_255 = arith.constant 1 : i32
        %dma_start3A_256 = arith.constant 1 : i32
        %dma_start3A_257 = arith.constant 0 : i32
        %dma_start3A_258 = arith.constant 0 : i32
        %dma_start3A_259 = tpu.memref_slice %arg7[%dma_start3A_256, %dma_start3A_257, %dma_start3A_258] : memref<2x128x128xf32, #tpu.memory_space<vmem>> -> memref<1x128x128xf32, #tpu.memory_space<vmem>>
        %dma_start3A_260 = tpu.memref_squeeze %dma_start3A_259 : memref<1x128x128xf32, #tpu.memory_space<vmem>> -> memref<128x128xf32, #tpu.memory_space<vmem>>
        %dma_start3A_261 = arith.constant 0 : i32
        %dma_start3A_262 = tpu.memref_slice %arg5[%dma_start3A_255, %dma_start3A_261] : memref<2x128xi32, #tpu.memory_space<vmem>> -> memref<1x128xi32, #tpu.memory_space<vmem>>
        %dma_start3A_263 = tpu.memref_squeeze %dma_start3A_262 : memref<1x128xi32, #tpu.memory_space<vmem>> -> memref<128xi32, #tpu.memory_space<vmem>>
        %dma_start3A_264 = arith.constant 0 : i32
        %dma_start3A_265 = arith.constant 0 : i32
        %dma_start3A_266 = tpu.memref_slice %arg2[%dma_start3A_264, %dma_start3A_265] : memref<10240x128xf32, #tpu.memory_space<hbm>> -> memref<10240x128xf32, #tpu.memory_space<hbm>>
        tpu.enqueue_indirect_dma source(%dma_start3A_266 : memref<10240x128xf32, #tpu.memory_space<hbm>>) target(%dma_start3A_260 : memref<128x128xf32, #tpu.memory_space<vmem>>) offsets(%dma_start3A_263 : memref<128xi32, #tpu.memory_space<vmem>>) semaphore(%arg12 : memref<!tpu.dma_semaphore, #tpu.memory_space<semaphore_mem>>)
      } else {
      }
      %dma_wait3A_152 = arith.constant 0 : i32
      %dma_wait3A_153 = arith.constant 0 : i32
      %dma_wait3A_154 = arith.constant 0 : i32
      %dma_wait3A_155 = arith.constant 0 : i32
      %dma_wait3A_156 = tpu.memref_slice %arg7[%dma_wait3A_152, %dma_wait3A_154, %dma_wait3A_155] : memref<2x128x128xf32, #tpu.memory_space<vmem>> -> memref<1x128x128xf32, #tpu.memory_space<vmem>>
      %dma_wait3A_157 = tpu.memref_squeeze %dma_wait3A_156 : memref<1x128x128xf32, #tpu.memory_space<vmem>> -> memref<128x128xf32, #tpu.memory_space<vmem>>
      %dma_wait3A_158 = arith.constant 0 : i32
      %dma_wait3A_159 = tpu.memref_slice %arg6[%dma_wait3A_153, %dma_wait3A_158] : memref<2x128xi32, #tpu.memory_space<vmem>> -> memref<1x128xi32, #tpu.memory_space<vmem>>
      %dma_wait3A_160 = tpu.memref_squeeze %dma_wait3A_159 : memref<1x128xi32, #tpu.memory_space<vmem>> -> memref<128xi32, #tpu.memory_space<vmem>>
      %dma_wait3A_161 = arith.constant 0 : i32
      %dma_wait3A_162 = arith.constant 0 : i32
      %dma_wait3A_163 = tpu.memref_slice %arg9[%dma_wait3A_161, %dma_wait3A_162] : memref<10240x128xf32, #tpu.memory_space<vmem_shared>> -> memref<10240x128xf32, #tpu.memory_space<vmem_shared>>
      tpu.wait_indirect_dma semaphore(%arg13 : memref<!tpu.dma_semaphore, #tpu.memory_space<semaphore_mem>>) src(%dma_wait3A_157 : memref<128x128xf32, #tpu.memory_space<vmem>>) dst(%dma_wait3A_163 : memref<10240x128xf32, #tpu.memory_space<vmem_shared>>)
      %add3A_164 = arith.constant 2 : i32
      %add3A_165 = arith.addi %add3A_121, %add3A_164 : i32
      %lt3A_166 = arith.constant 80 : i32
      %lt3A_167 = arith.cmpi slt, %add3A_165, %lt3A_166 : i32
      %convert_element_type3A_168 = arith.extui %lt3A_167 : i1 to i32
      %cond3A_169 = arith.constant 0 : i32
      %cond3A_170 = arith.cmpi ne, %convert_element_type3A_168, %cond3A_169 : i32
      scf.if %cond3A_170 {
        %add3A_225 = arith.constant 2 : i32
        %add3A_226 = arith.addi %add3A_121, %add3A_225 : i32
        %dma_start3A_227 = arith.constant 0 : i32
        %dma_start3A_228 = arith.constant 0 : i32
        %dma_start3A_229 = arith.constant 0 : i32
        %dma_start3A_230 = tpu.memref_slice %arg5[%dma_start3A_228, %dma_start3A_229] : memref<2x128xi32, #tpu.memory_space<vmem>> -> memref<1x128xi32, #tpu.memory_space<vmem>>
        %dma_start3A_231 = tpu.memref_squeeze %dma_start3A_230 : memref<1x128xi32, #tpu.memory_space<vmem>> -> memref<128xi32, #tpu.memory_space<vmem>>
        %dma_start3A_232 = arith.constant 0 : i32
        %dma_start3A_233 = tpu.memref_slice %arg3[%dma_start3A_227, %add3A, %add3A_226, %dma_start3A_232] : memref<2x32x80x128xi32, #tpu.memory_space<hbm>> -> memref<1x1x1x128xi32, #tpu.memory_space<hbm>>
        %dma_start3A_234 = tpu.memref_squeeze %dma_start3A_233 : memref<1x1x1x128xi32, #tpu.memory_space<hbm>> -> memref<128xi32, #tpu.memory_space<hbm>>
        %dma_start3A_235 = arith.constant 0 : i32
        %dma_start3A_236 = tpu.memref_slice %arg5[%dma_start3A_228, %dma_start3A_235] : memref<2x128xi32, #tpu.memory_space<vmem>> -> memref<1x128xi32, #tpu.memory_space<vmem>>
        %dma_start3A_237 = tpu.memref_squeeze %dma_start3A_236 : memref<1x128xi32, #tpu.memory_space<vmem>> -> memref<128xi32, #tpu.memory_space<vmem>>
        %dma_start3A_238 = arith.constant 0 : i32
        %dma_start3A_239 = tpu.memref_slice %arg3[%dma_start3A_227, %add3A, %add3A_226, %dma_start3A_238] : memref<2x32x80x128xi32, #tpu.memory_space<hbm>> -> memref<1x1x1x128xi32, #tpu.memory_space<hbm>>
        %dma_start3A_240 = tpu.memref_squeeze %dma_start3A_239 : memref<1x1x1x128xi32, #tpu.memory_space<hbm>> -> memref<128xi32, #tpu.memory_space<hbm>>
        tpu.enqueue_dma source(%dma_start3A_240 : memref<128xi32, #tpu.memory_space<hbm>>) target(%dma_start3A_237 : memref<128xi32, #tpu.memory_space<vmem>>) target_semaphore(%arg10 : memref<!tpu.dma_semaphore, #tpu.memory_space<semaphore_mem>>)
        %dma_start3A_241 = arith.constant 1 : i32
        %dma_start3A_242 = arith.constant 0 : i32
        %dma_start3A_243 = arith.constant 0 : i32
        %dma_start3A_244 = tpu.memref_slice %arg6[%dma_start3A_242, %dma_start3A_243] : memref<2x128xi32, #tpu.memory_space<vmem>> -> memref<1x128xi32, #tpu.memory_space<vmem>>
        %dma_start3A_245 = tpu.memref_squeeze %dma_start3A_244 : memref<1x128xi32, #tpu.memory_space<vmem>> -> memref<128xi32, #tpu.memory_space<vmem>>
        %dma_start3A_246 = arith.constant 0 : i32
        %dma_start3A_247 = tpu.memref_slice %arg3[%dma_start3A_241, %add3A, %add3A_226, %dma_start3A_246] : memref<2x32x80x128xi32, #tpu.memory_space<hbm>> -> memref<1x1x1x128xi32, #tpu.memory_space<hbm>>
        %dma_start3A_248 = tpu.memref_squeeze %dma_start3A_247 : memref<1x1x1x128xi32, #tpu.memory_space<hbm>> -> memref<128xi32, #tpu.memory_space<hbm>>
        %dma_start3A_249 = arith.constant 0 : i32
        %dma_start3A_250 = tpu.memref_slice %arg6[%dma_start3A_242, %dma_start3A_249] : memref<2x128xi32, #tpu.memory_space<vmem>> -> memref<1x128xi32, #tpu.memory_space<vmem>>
        %dma_start3A_251 = tpu.memref_squeeze %dma_start3A_250 : memref<1x128xi32, #tpu.memory_space<vmem>> -> memref<128xi32, #tpu.memory_space<vmem>>
        %dma_start3A_252 = arith.constant 0 : i32
        %dma_start3A_253 = tpu.memref_slice %arg3[%dma_start3A_241, %add3A, %add3A_226, %dma_start3A_252] : memref<2x32x80x128xi32, #tpu.memory_space<hbm>> -> memref<1x1x1x128xi32, #tpu.memory_space<hbm>>
        %dma_start3A_254 = tpu.memref_squeeze %dma_start3A_253 : memref<1x1x1x128xi32, #tpu.memory_space<hbm>> -> memref<128xi32, #tpu.memory_space<hbm>>
        tpu.enqueue_dma source(%dma_start3A_254 : memref<128xi32, #tpu.memory_space<hbm>>) target(%dma_start3A_251 : memref<128xi32, #tpu.memory_space<vmem>>) target_semaphore(%arg10 : memref<!tpu.dma_semaphore, #tpu.memory_space<semaphore_mem>>)
      } else {
      }
      %mul3A_171 = arith.constant 2 : i32
      %mul3A_172 = arith.muli %mul3A_171, %scan3A_117 : i32
      %add3A_173 = arith.constant 1 : i32
      %add3A_174 = arith.addi %mul3A_172, %add3A_173 : i32
      %dma_wait3A_175 = arith.constant 1 : i32
      %dma_wait3A_176 = arith.constant 1 : i32
      %dma_wait3A_177 = arith.constant 0 : i32
      %dma_wait3A_178 = arith.constant 0 : i32
      %dma_wait3A_179 = tpu.memref_slice %arg7[%dma_wait3A_176, %dma_wait3A_177, %dma_wait3A_178] : memref<2x128x128xf32, #tpu.memory_space<vmem>> -> memref<1x128x128xf32, #tpu.memory_space<vmem>>
      %dma_wait3A_180 = tpu.memref_squeeze %dma_wait3A_179 : memref<1x128x128xf32, #tpu.memory_space<vmem>> -> memref<128x128xf32, #tpu.memory_space<vmem>>
      %dma_wait3A_181 = arith.constant 0 : i32
      %dma_wait3A_182 = tpu.memref_slice %arg5[%dma_wait3A_175, %dma_wait3A_181] : memref<2x128xi32, #tpu.memory_space<vmem>> -> memref<1x128xi32, #tpu.memory_space<vmem>>
      %dma_wait3A_183 = tpu.memref_squeeze %dma_wait3A_182 : memref<1x128xi32, #tpu.memory_space<vmem>> -> memref<128xi32, #tpu.memory_space<vmem>>
      %dma_wait3A_184 = arith.constant 0 : i32
      %dma_wait3A_185 = arith.constant 0 : i32
      %dma_wait3A_186 = tpu.memref_slice %arg2[%dma_wait3A_184, %dma_wait3A_185] : memref<10240x128xf32, #tpu.memory_space<hbm>> -> memref<10240x128xf32, #tpu.memory_space<hbm>>
      tpu.wait_indirect_dma semaphore(%arg12 : memref<!tpu.dma_semaphore, #tpu.memory_space<semaphore_mem>>) src(%dma_wait3A_186 : memref<10240x128xf32, #tpu.memory_space<hbm>>) dst(%dma_wait3A_180 : memref<128x128xf32, #tpu.memory_space<vmem>>)
      %dma_start3A_187 = arith.constant 1 : i32
      %dma_start3A_188 = arith.constant 1 : i32
      %dma_start3A_189 = arith.constant 0 : i32
      %dma_start3A_190 = arith.constant 0 : i32
      %dma_start3A_191 = tpu.memref_slice %arg7[%dma_start3A_187, %dma_start3A_189, %dma_start3A_190] : memref<2x128x128xf32, #tpu.memory_space<vmem>> -> memref<1x128x128xf32, #tpu.memory_space<vmem>>
      %dma_start3A_192 = tpu.memref_squeeze %dma_start3A_191 : memref<1x128x128xf32, #tpu.memory_space<vmem>> -> memref<128x128xf32, #tpu.memory_space<vmem>>
      %dma_start3A_193 = arith.constant 0 : i32
      %dma_start3A_194 = tpu.memref_slice %arg6[%dma_start3A_188, %dma_start3A_193] : memref<2x128xi32, #tpu.memory_space<vmem>> -> memref<1x128xi32, #tpu.memory_space<vmem>>
      %dma_start3A_195 = tpu.memref_squeeze %dma_start3A_194 : memref<1x128xi32, #tpu.memory_space<vmem>> -> memref<128xi32, #tpu.memory_space<vmem>>
      %dma_start3A_196 = arith.constant 0 : i32
      %dma_start3A_197 = arith.constant 0 : i32
      %dma_start3A_198 = tpu.memref_slice %arg9[%dma_start3A_196, %dma_start3A_197] : memref<10240x128xf32, #tpu.memory_space<vmem_shared>> -> memref<10240x128xf32, #tpu.memory_space<vmem_shared>>
      tpu.enqueue_indirect_dma source(%dma_start3A_192 : memref<128x128xf32, #tpu.memory_space<vmem>>) target(%dma_start3A_198 : memref<10240x128xf32, #tpu.memory_space<vmem_shared>>) offsets(%dma_start3A_195 : memref<128xi32, #tpu.memory_space<vmem>>) semaphore(%arg13 : memref<!tpu.dma_semaphore, #tpu.memory_space<semaphore_mem>>) {add = true}
      %add3A_199 = arith.constant 1 : i32
      %add3A_200 = arith.addi %add3A_174, %add3A_199 : i32
      %lt3A_201 = arith.constant 80 : i32
      %lt3A_202 = arith.cmpi slt, %add3A_200, %lt3A_201 : i32
      %convert_element_type3A_203 = arith.extui %lt3A_202 : i1 to i32
      %cond3A_204 = arith.constant 0 : i32
      %cond3A_205 = arith.cmpi ne, %convert_element_type3A_203, %cond3A_204 : i32
      scf.if %cond3A_205 {
        %dma_wait3A_225 = arith.constant 0 : i32
        %dma_wait3A_226 = arith.constant 0 : i32
        %dma_wait3A_227 = arith.constant 0 : i32
        %dma_wait3A_228 = arith.constant 0 : i32
        %dma_wait3A_229 = tpu.memref_slice %arg5[%dma_wait3A_227, %dma_wait3A_228] : memref<2x128xi32, #tpu.memory_space<vmem>> -> memref<1x128xi32, #tpu.memory_space<vmem>>
        %dma_wait3A_230 = tpu.memref_squeeze %dma_wait3A_229 : memref<1x128xi32, #tpu.memory_space<vmem>> -> memref<128xi32, #tpu.memory_space<vmem>>
        %dma_wait3A_231 = arith.constant 0 : i32
        %dma_wait3A_232 = tpu.memref_slice %arg3[%dma_wait3A_225, %add3A, %dma_wait3A_226, %dma_wait3A_231] : memref<2x32x80x128xi32, #tpu.memory_space<hbm>> -> memref<1x1x1x128xi32, #tpu.memory_space<hbm>>
        %dma_wait3A_233 = tpu.memref_squeeze %dma_wait3A_232 : memref<1x1x1x128xi32, #tpu.memory_space<hbm>> -> memref<128xi32, #tpu.memory_space<hbm>>
        %dma_wait3A_234 = arith.constant 0 : i32
        %dma_wait3A_235 = tpu.memref_slice %arg5[%dma_wait3A_227, %dma_wait3A_234] : memref<2x128xi32, #tpu.memory_space<vmem>> -> memref<1x128xi32, #tpu.memory_space<vmem>>
        %dma_wait3A_236 = tpu.memref_squeeze %dma_wait3A_235 : memref<1x128xi32, #tpu.memory_space<vmem>> -> memref<128xi32, #tpu.memory_space<vmem>>
        %dma_wait3A_237 = arith.constant 0 : i32
        %dma_wait3A_238 = tpu.memref_slice %arg3[%dma_wait3A_225, %add3A, %dma_wait3A_226, %dma_wait3A_237] : memref<2x32x80x128xi32, #tpu.memory_space<hbm>> -> memref<1x1x1x128xi32, #tpu.memory_space<hbm>>
        %dma_wait3A_239 = tpu.memref_squeeze %dma_wait3A_238 : memref<1x1x1x128xi32, #tpu.memory_space<hbm>> -> memref<128xi32, #tpu.memory_space<hbm>>
        tpu.wait_dma2 semaphore(%arg10 : memref<!tpu.dma_semaphore, #tpu.memory_space<semaphore_mem>>) src(%dma_wait3A_239 : memref<128xi32, #tpu.memory_space<hbm>>) dst(%dma_wait3A_236 : memref<128xi32, #tpu.memory_space<vmem>>)
        %dma_wait3A_240 = arith.constant 1 : i32
        %dma_wait3A_241 = arith.constant 0 : i32
        %dma_wait3A_242 = arith.constant 0 : i32
        %dma_wait3A_243 = arith.constant 0 : i32
        %dma_wait3A_244 = tpu.memref_slice %arg6[%dma_wait3A_242, %dma_wait3A_243] : memref<2x128xi32, #tpu.memory_space<vmem>> -> memref<1x128xi32, #tpu.memory_space<vmem>>
        %dma_wait3A_245 = tpu.memref_squeeze %dma_wait3A_244 : memref<1x128xi32, #tpu.memory_space<vmem>> -> memref<128xi32, #tpu.memory_space<vmem>>
        %dma_wait3A_246 = arith.constant 0 : i32
        %dma_wait3A_247 = tpu.memref_slice %arg3[%dma_wait3A_240, %add3A, %dma_wait3A_241, %dma_wait3A_246] : memref<2x32x80x128xi32, #tpu.memory_space<hbm>> -> memref<1x1x1x128xi32, #tpu.memory_space<hbm>>
        %dma_wait3A_248 = tpu.memref_squeeze %dma_wait3A_247 : memref<1x1x1x128xi32, #tpu.memory_space<hbm>> -> memref<128xi32, #tpu.memory_space<hbm>>
        %dma_wait3A_249 = arith.constant 0 : i32
        %dma_wait3A_250 = tpu.memref_slice %arg6[%dma_wait3A_242, %dma_wait3A_249] : memref<2x128xi32, #tpu.memory_space<vmem>> -> memref<1x128xi32, #tpu.memory_space<vmem>>
        %dma_wait3A_251 = tpu.memref_squeeze %dma_wait3A_250 : memref<1x128xi32, #tpu.memory_space<vmem>> -> memref<128xi32, #tpu.memory_space<vmem>>
        %dma_wait3A_252 = arith.constant 0 : i32
        %dma_wait3A_253 = tpu.memref_slice %arg3[%dma_wait3A_240, %add3A, %dma_wait3A_241, %dma_wait3A_252] : memref<2x32x80x128xi32, #tpu.memory_space<hbm>> -> memref<1x1x1x128xi32, #tpu.memory_space<hbm>>
        %dma_wait3A_254 = tpu.memref_squeeze %dma_wait3A_253 : memref<1x1x1x128xi32, #tpu.memory_space<hbm>> -> memref<128xi32, #tpu.memory_space<hbm>>
        tpu.wait_dma2 semaphore(%arg10 : memref<!tpu.dma_semaphore, #tpu.memory_space<semaphore_mem>>) src(%dma_wait3A_254 : memref<128xi32, #tpu.memory_space<hbm>>) dst(%dma_wait3A_251 : memref<128xi32, #tpu.memory_space<vmem>>)
        %dma_start3A_255 = arith.constant 0 : i32
        %dma_start3A_256 = arith.constant 0 : i32
        %dma_start3A_257 = arith.constant 0 : i32
        %dma_start3A_258 = arith.constant 0 : i32
        %dma_start3A_259 = tpu.memref_slice %arg7[%dma_start3A_256, %dma_start3A_257, %dma_start3A_258] : memref<2x128x128xf32, #tpu.memory_space<vmem>> -> memref<1x128x128xf32, #tpu.memory_space<vmem>>
        %dma_start3A_260 = tpu.memref_squeeze %dma_start3A_259 : memref<1x128x128xf32, #tpu.memory_space<vmem>> -> memref<128x128xf32, #tpu.memory_space<vmem>>
        %dma_start3A_261 = arith.constant 0 : i32
        %dma_start3A_262 = tpu.memref_slice %arg5[%dma_start3A_255, %dma_start3A_261] : memref<2x128xi32, #tpu.memory_space<vmem>> -> memref<1x128xi32, #tpu.memory_space<vmem>>
        %dma_start3A_263 = tpu.memref_squeeze %dma_start3A_262 : memref<1x128xi32, #tpu.memory_space<vmem>> -> memref<128xi32, #tpu.memory_space<vmem>>
        %dma_start3A_264 = arith.constant 0 : i32
        %dma_start3A_265 = arith.constant 0 : i32
        %dma_start3A_266 = tpu.memref_slice %arg2[%dma_start3A_264, %dma_start3A_265] : memref<10240x128xf32, #tpu.memory_space<hbm>> -> memref<10240x128xf32, #tpu.memory_space<hbm>>
        tpu.enqueue_indirect_dma source(%dma_start3A_266 : memref<10240x128xf32, #tpu.memory_space<hbm>>) target(%dma_start3A_260 : memref<128x128xf32, #tpu.memory_space<vmem>>) offsets(%dma_start3A_263 : memref<128xi32, #tpu.memory_space<vmem>>) semaphore(%arg12 : memref<!tpu.dma_semaphore, #tpu.memory_space<semaphore_mem>>)
      } else {
      }
      %dma_wait3A_206 = arith.constant 1 : i32
      %dma_wait3A_207 = arith.constant 1 : i32
      %dma_wait3A_208 = arith.constant 0 : i32
      %dma_wait3A_209 = arith.constant 0 : i32
      %dma_wait3A_210 = tpu.memref_slice %arg7[%dma_wait3A_206, %dma_wait3A_208, %dma_wait3A_209] : memref<2x128x128xf32, #tpu.memory_space<vmem>> -> memref<1x128x128xf32, #tpu.memory_space<vmem>>
      %dma_wait3A_211 = tpu.memref_squeeze %dma_wait3A_210 : memref<1x128x128xf32, #tpu.memory_space<vmem>> -> memref<128x128xf32, #tpu.memory_space<vmem>>
      %dma_wait3A_212 = arith.constant 0 : i32
      %dma_wait3A_213 = tpu.memref_slice %arg6[%dma_wait3A_207, %dma_wait3A_212] : memref<2x128xi32, #tpu.memory_space<vmem>> -> memref<1x128xi32, #tpu.memory_space<vmem>>
      %dma_wait3A_214 = tpu.memref_squeeze %dma_wait3A_213 : memref<1x128xi32, #tpu.memory_space<vmem>> -> memref<128xi32, #tpu.memory_space<vmem>>
      %dma_wait3A_215 = arith.constant 0 : i32
      %dma_wait3A_216 = arith.constant 0 : i32
      %dma_wait3A_217 = tpu.memref_slice %arg9[%dma_wait3A_215, %dma_wait3A_216] : memref<10240x128xf32, #tpu.memory_space<vmem_shared>> -> memref<10240x128xf32, #tpu.memory_space<vmem_shared>>
      tpu.wait_indirect_dma semaphore(%arg13 : memref<!tpu.dma_semaphore, #tpu.memory_space<semaphore_mem>>) src(%dma_wait3A_211 : memref<128x128xf32, #tpu.memory_space<vmem>>) dst(%dma_wait3A_217 : memref<10240x128xf32, #tpu.memory_space<vmem_shared>>)
      %add3A_218 = arith.constant 2 : i32
      %add3A_219 = arith.addi %add3A_174, %add3A_218 : i32
      %lt3A_220 = arith.constant 80 : i32
      %lt3A_221 = arith.cmpi slt, %add3A_219, %lt3A_220 : i32
      %convert_element_type3A_222 = arith.extui %lt3A_221 : i1 to i32
      %cond3A_223 = arith.constant 0 : i32
      %cond3A_224 = arith.cmpi ne, %convert_element_type3A_222, %cond3A_223 : i32
      scf.if %cond3A_224 {
        %add3A_225 = arith.constant 2 : i32
        %add3A_226 = arith.addi %add3A_174, %add3A_225 : i32
        %dma_start3A_227 = arith.constant 0 : i32
        %dma_start3A_228 = arith.constant 1 : i32
        %dma_start3A_229 = arith.constant 0 : i32
        %dma_start3A_230 = tpu.memref_slice %arg5[%dma_start3A_228, %dma_start3A_229] : memref<2x128xi32, #tpu.memory_space<vmem>> -> memref<1x128xi32, #tpu.memory_space<vmem>>
        %dma_start3A_231 = tpu.memref_squeeze %dma_start3A_230 : memref<1x128xi32, #tpu.memory_space<vmem>> -> memref<128xi32, #tpu.memory_space<vmem>>
        %dma_start3A_232 = arith.constant 0 : i32
        %dma_start3A_233 = tpu.memref_slice %arg3[%dma_start3A_227, %add3A, %add3A_226, %dma_start3A_232] : memref<2x32x80x128xi32, #tpu.memory_space<hbm>> -> memref<1x1x1x128xi32, #tpu.memory_space<hbm>>
        %dma_start3A_234 = tpu.memref_squeeze %dma_start3A_233 : memref<1x1x1x128xi32, #tpu.memory_space<hbm>> -> memref<128xi32, #tpu.memory_space<hbm>>
        %dma_start3A_235 = arith.constant 0 : i32
        %dma_start3A_236 = tpu.memref_slice %arg5[%dma_start3A_228, %dma_start3A_235] : memref<2x128xi32, #tpu.memory_space<vmem>> -> memref<1x128xi32, #tpu.memory_space<vmem>>
        %dma_start3A_237 = tpu.memref_squeeze %dma_start3A_236 : memref<1x128xi32, #tpu.memory_space<vmem>> -> memref<128xi32, #tpu.memory_space<vmem>>
        %dma_start3A_238 = arith.constant 0 : i32
        %dma_start3A_239 = tpu.memref_slice %arg3[%dma_start3A_227, %add3A, %add3A_226, %dma_start3A_238] : memref<2x32x80x128xi32, #tpu.memory_space<hbm>> -> memref<1x1x1x128xi32, #tpu.memory_space<hbm>>
        %dma_start3A_240 = tpu.memref_squeeze %dma_start3A_239 : memref<1x1x1x128xi32, #tpu.memory_space<hbm>> -> memref<128xi32, #tpu.memory_space<hbm>>
        tpu.enqueue_dma source(%dma_start3A_240 : memref<128xi32, #tpu.memory_space<hbm>>) target(%dma_start3A_237 : memref<128xi32, #tpu.memory_space<vmem>>) target_semaphore(%arg11 : memref<!tpu.dma_semaphore, #tpu.memory_space<semaphore_mem>>)
        %dma_start3A_241 = arith.constant 1 : i32
        %dma_start3A_242 = arith.constant 1 : i32
        %dma_start3A_243 = arith.constant 0 : i32
        %dma_start3A_244 = tpu.memref_slice %arg6[%dma_start3A_242, %dma_start3A_243] : memref<2x128xi32, #tpu.memory_space<vmem>> -> memref<1x128xi32, #tpu.memory_space<vmem>>
        %dma_start3A_245 = tpu.memref_squeeze %dma_start3A_244 : memref<1x128xi32, #tpu.memory_space<vmem>> -> memref<128xi32, #tpu.memory_space<vmem>>
        %dma_start3A_246 = arith.constant 0 : i32
        %dma_start3A_247 = tpu.memref_slice %arg3[%dma_start3A_241, %add3A, %add3A_226, %dma_start3A_246] : memref<2x32x80x128xi32, #tpu.memory_space<hbm>> -> memref<1x1x1x128xi32, #tpu.memory_space<hbm>>
        %dma_start3A_248 = tpu.memref_squeeze %dma_start3A_247 : memref<1x1x1x128xi32, #tpu.memory_space<hbm>> -> memref<128xi32, #tpu.memory_space<hbm>>
        %dma_start3A_249 = arith.constant 0 : i32
        %dma_start3A_250 = tpu.memref_slice %arg6[%dma_start3A_242, %dma_start3A_249] : memref<2x128xi32, #tpu.memory_space<vmem>> -> memref<1x128xi32, #tpu.memory_space<vmem>>
        %dma_start3A_251 = tpu.memref_squeeze %dma_start3A_250 : memref<1x128xi32, #tpu.memory_space<vmem>> -> memref<128xi32, #tpu.memory_space<vmem>>
        %dma_start3A_252 = arith.constant 0 : i32
        %dma_start3A_253 = tpu.memref_slice %arg3[%dma_start3A_241, %add3A, %add3A_226, %dma_start3A_252] : memref<2x32x80x128xi32, #tpu.memory_space<hbm>> -> memref<1x1x1x128xi32, #tpu.memory_space<hbm>>
        %dma_start3A_254 = tpu.memref_squeeze %dma_start3A_253 : memref<1x1x1x128xi32, #tpu.memory_space<hbm>> -> memref<128xi32, #tpu.memory_space<hbm>>
        tpu.enqueue_dma source(%dma_start3A_254 : memref<128xi32, #tpu.memory_space<hbm>>) target(%dma_start3A_251 : memref<128xi32, #tpu.memory_space<vmem>>) target_semaphore(%arg11 : memref<!tpu.dma_semaphore, #tpu.memory_space<semaphore_mem>>)
      } else {
      }
    }
    %scan3A_111 = arith.constant 40 : i32
    %barrier3A_112 = arith.constant 0 : index
    tpu.barrier barrier_id(%barrier3A_112)
    %mul3A_113 = arith.constant 640 : i32
    %mul3A_114 = arith.muli %arg1, %mul3A_113 : i32
    %mul3A_115 = arith.constant 640 : i32
    %mul3A_116 = arith.muli %arg1, %mul3A_115 : i32
    "tpu.region"() ({
      %run_scoped3A = tpu.sem_alloc : memref<!tpu.dma_semaphore, #tpu.memory_space<semaphore_mem>>
      %dma_start3A_117 = arith.constant 0 : i32
      %dma_start3A_118 = tpu.memref_slice %arg4[%arg0, %mul3A_116, %dma_start3A_117] : memref<2x10240x128xf32, #tpu.memory_space<hbm>> -> memref<1x640x128xf32, #tpu.memory_space<hbm>>
      %dma_start3A_119 = tpu.memref_squeeze %dma_start3A_118 : memref<1x640x128xf32, #tpu.memory_space<hbm>> -> memref<640x128xf32, #tpu.memory_space<hbm>>
      %dma_start3A_120 = arith.constant 0 : i32
      %dma_start3A_121 = tpu.memref_slice %arg9[%mul3A_114, %dma_start3A_120] : memref<10240x128xf32, #tpu.memory_space<vmem_shared>> -> memref<640x128xf32, #tpu.memory_space<vmem_shared>>
      tpu.enqueue_dma source(%dma_start3A_121 : memref<640x128xf32, #tpu.memory_space<vmem_shared>>) target(%dma_start3A_119 : memref<640x128xf32, #tpu.memory_space<hbm>>) target_semaphore(%run_scoped3A : memref<!tpu.dma_semaphore, #tpu.memory_space<semaphore_mem>>)
      %dma_wait3A_122 = arith.constant 0 : i32
      %dma_wait3A_123 = tpu.memref_slice %arg4[%arg0, %mul3A_116, %dma_wait3A_122] : memref<2x10240x128xf32, #tpu.memory_space<hbm>> -> memref<1x640x128xf32, #tpu.memory_space<hbm>>
      %dma_wait3A_124 = tpu.memref_squeeze %dma_wait3A_123 : memref<1x640x128xf32, #tpu.memory_space<hbm>> -> memref<640x128xf32, #tpu.memory_space<hbm>>
      %dma_wait3A_125 = arith.constant 0 : i32
      %dma_wait3A_126 = tpu.memref_slice %arg9[%mul3A_114, %dma_wait3A_125] : memref<10240x128xf32, #tpu.memory_space<vmem_shared>> -> memref<640x128xf32, #tpu.memory_space<vmem_shared>>
      tpu.wait_dma2 semaphore(%run_scoped3A : memref<!tpu.dma_semaphore, #tpu.memory_space<semaphore_mem>>) src(%dma_wait3A_126 : memref<640x128xf32, #tpu.memory_space<vmem_shared>>) dst(%dma_wait3A_124 : memref<640x128xf32, #tpu.memory_space<hbm>>)
      tpu.yield
    }) : () -> ()
    return
  }
}

module attributes {stable_mosaic.version = 14 : i64} {
  func.func @_u_body(%arg0: memref<10000x128xf32, #tpu.memory_space<vmem>>, %arg1: memref<2x10240x1xf32, #tpu.memory_space<vmem>>, %arg2: memref<10240x128xf32, #tpu.memory_space<vmem>>) attributes {dimension_semantics = [], scalar_prefetch = 0 : i64, scratch_operands = 0 : i64, tpu.core_type = #tpu.core_type<tc>} {
    %get3A = arith.constant 0 : index
    %get3A_0 = arith.constant 0 : index
    %get3A_1 = arith.constant 0 : index
    %get3A_2 = vector.load %arg1[%get3A, %get3A_0, %get3A_1] : memref<2x10240x1xf32, #tpu.memory_space<vmem>>, vector<1x10240x1xf32>
    %get3A_3 = vector.shape_cast %get3A_2 : vector<1x10240x1xf32> to vector<10240x1xf32>
    %get3A_4 = arith.constant 1 : index
    %get3A_5 = arith.constant 0 : index
    %get3A_6 = arith.constant 0 : index
    %get3A_7 = vector.load %arg1[%get3A_4, %get3A_5, %get3A_6] : memref<2x10240x1xf32, #tpu.memory_space<vmem>>, vector<1x10240x1xf32>
    %get3A_8 = vector.shape_cast %get3A_7 : vector<1x10240x1xf32> to vector<10240x1xf32>
    %add3A = arith.addf %get3A_3, %get3A_8 : vector<10240x1xf32>
    %add3A_9 = arith.constant 1.000000e+00 : f32
    %add3A_10 = vector.broadcast %add3A_9 : f32 to vector<10240x1xf32>
    %add3A_11 = arith.addf %add3A, %add3A_10 : vector<10240x1xf32>
    %rsqrt3A = math.rsqrt %add3A_11 : vector<10240x1xf32>
    %broadcast_in_dim3A = vector.shape_cast %rsqrt3A : vector<10240x1xf32> to vector<10240x1xf32>
    %broadcast_in_dim3A_12 = vector.broadcast %broadcast_in_dim3A : vector<10240x1xf32> to vector<10240x128xf32>
    %get3A_13 = arith.constant 0 : index
    %get3A_14 = arith.constant 0 : index
    %get3A_15 = vector.load %arg0[%get3A_13, %get3A_14] : memref<10000x128xf32, #tpu.memory_space<vmem>>, vector<10000x128xf32>
    %slice3A = vector.extract_strided_slice %broadcast_in_dim3A_12 {offsets = [0, 0], sizes = [10000, 128], strides = [1, 1]} : vector<10240x128xf32> to vector<10000x128xf32>
    %mul3A = arith.mulf %get3A_15, %slice3A : vector<10000x128xf32>
    %swap3A = arith.constant 0 : index
    %swap3A_16 = arith.constant 0 : index
    %swap3A_17 = vector.load %arg2[%swap3A, %swap3A_16] : memref<10240x128xf32, #tpu.memory_space<vmem>>, vector<10000x128xf32>
    tpu.vector_store %arg2[%swap3A, %swap3A_16], %mul3A {strides = array<i32>} : memref<10240x128xf32, #tpu.memory_space<vmem>>, vector<10000x128xf32>,
    %broadcast_in_dim3A_18 = arith.constant 0.000000e+00 : f32
    %broadcast_in_dim3A_19 = vector.broadcast %broadcast_in_dim3A_18 : f32 to vector<240x128xf32>
    %swap3A_20 = arith.constant 10000 : index
    %swap3A_21 = arith.constant 0 : index
    %swap3A_22 = vector.load %arg2[%swap3A_20, %swap3A_21] : memref<10240x128xf32, #tpu.memory_space<vmem>>, vector<240x128xf32>
    tpu.vector_store %arg2[%swap3A_20, %swap3A_21], %broadcast_in_dim3A_19 {strides = array<i32>} : memref<10240x128xf32, #tpu.memory_space<vmem>>, vector<240x128xf32>,
    return
  }
}

module attributes {stable_mosaic.version = 14 : i64} {
  func.func @_pool_body(%arg0: i32, %arg1: memref<1x1000x1xi32, #tpu.memory_space<vmem>>, %arg2: memref<2x1000x128xf32, #tpu.memory_space<vmem>>, %arg3: memref<2x1000x1xf32, #tpu.memory_space<vmem>>, %arg4: memref<128x32xbf16, #tpu.memory_space<vmem>>, %arg5: memref<1x32xf32, #tpu.memory_space<vmem>>, %arg6: memref<1x32xf32, #tpu.memory_space<vmem>>, %arg7: memref<1x2048xf32, #tpu.memory_space<vmem>>, %arg8: memref<1x64xf32, #tpu.memory_space<vmem>>, %arg9: memref<1x64xf32, #tpu.memory_space<vmem>>, %arg10: memref<1x2048xf32, #tpu.memory_space<vmem>>, %arg11: memref<64x32xf32, #tpu.memory_space<vmem>>, %arg12: memref<64x32xf32, #tpu.memory_space<vmem>>) attributes {dimension_semantics = [#tpu.dimension_semantics<arbitrary>], iteration_bounds = array<i64: 10>, scalar_prefetch = 0 : i64, scratch_operands = 3 : i64, tpu.core_type = #tpu.core_type<tc>, window_params = [{transform_indices = @transform_0, window_bounds = array<i64: 1, 1000, 1>}, {transform_indices = @transform_1, window_bounds = array<i64: 2, 1000, 128>}, {transform_indices = @transform_2, window_bounds = array<i64: 2, 1000, 1>}, {pipeline_mode = #tpu.pipeline_mode<synchronous>, transform_indices = @transform_3, window_bounds = array<i64: 128, 32>}, {pipeline_mode = #tpu.pipeline_mode<synchronous>, transform_indices = @transform_4, window_bounds = array<i64: 1, 32>}, {pipeline_mode = #tpu.pipeline_mode<synchronous>, transform_indices = @transform_5, window_bounds = array<i64: 1, 32>}, {pipeline_mode = #tpu.pipeline_mode<synchronous>, transform_indices = @transform_6, window_bounds = array<i64: 1, 2048>}, {pipeline_mode = #tpu.pipeline_mode<synchronous>, transform_indices = @transform_7, window_bounds = array<i64: 1, 64>}, {pipeline_mode = #tpu.pipeline_mode<synchronous>, transform_indices = @transform_8, window_bounds = array<i64: 1, 64>}]} {
    %eq3A = arith.constant 0 : i32
    %eq3A_0 = arith.cmpi eq, %arg0, %eq3A : i32
    %convert_element_type3A = arith.extui %eq3A_0 : i1 to i32
    %cond3A = arith.constant 0 : i32
    %cond3A_1 = arith.cmpi ne, %convert_element_type3A, %cond3A : i32
    scf.if %cond3A_1 {
      %broadcast_in_dim3A_118 = arith.constant 0xFF800000 : f32
      %broadcast_in_dim3A_119 = vector.broadcast %broadcast_in_dim3A_118 : f32 to vector<1x2048xf32>
      %swap3A_120 = arith.constant 0 : index
      %swap3A_121 = arith.constant 0 : index
      %swap3A_122 = vector.load %arg10[%swap3A_120, %swap3A_121] : memref<1x2048xf32, #tpu.memory_space<vmem>>, vector<1x2048xf32>
      tpu.vector_store %arg10[%swap3A_120, %swap3A_121], %broadcast_in_dim3A_119 {strides = array<i32>} : memref<1x2048xf32, #tpu.memory_space<vmem>>, vector<1x2048xf32>,
      %broadcast_in_dim3A_123 = arith.constant 0.000000e+00 : f32
      %broadcast_in_dim3A_124 = vector.broadcast %broadcast_in_dim3A_123 : f32 to vector<64x32xf32>
      %swap3A_125 = arith.constant 0 : index
      %swap3A_126 = arith.constant 0 : index
      %swap3A_127 = vector.load %arg11[%swap3A_125, %swap3A_126] : memref<64x32xf32, #tpu.memory_space<vmem>>, vector<64x32xf32>
      tpu.vector_store %arg11[%swap3A_125, %swap3A_126], %broadcast_in_dim3A_124 {strides = array<i32>} : memref<64x32xf32, #tpu.memory_space<vmem>>, vector<64x32xf32>,
      %broadcast_in_dim3A_128 = arith.constant 0.000000e+00 : f32
      %broadcast_in_dim3A_129 = vector.broadcast %broadcast_in_dim3A_128 : f32 to vector<64x32xf32>
      %swap3A_130 = arith.constant 0 : index
      %swap3A_131 = arith.constant 0 : index
      %swap3A_132 = vector.load %arg12[%swap3A_130, %swap3A_131] : memref<64x32xf32, #tpu.memory_space<vmem>>, vector<64x32xf32>
      tpu.vector_store %arg12[%swap3A_130, %swap3A_131], %broadcast_in_dim3A_129 {strides = array<i32>} : memref<64x32xf32, #tpu.memory_space<vmem>>, vector<64x32xf32>,
    } else {
    }
    %get3A = arith.constant 0 : index
    %get3A_2 = arith.constant 0 : index
    %get3A_3 = arith.constant 0 : index
    %get3A_4 = vector.load %arg3[%get3A, %get3A_2, %get3A_3] : memref<2x1000x1xf32, #tpu.memory_space<vmem>>, vector<1x1000x1xf32>
    %get3A_5 = vector.shape_cast %get3A_4 : vector<1x1000x1xf32> to vector<1000x1xf32>
    %get3A_6 = arith.constant 1 : index
    %get3A_7 = arith.constant 0 : index
    %get3A_8 = arith.constant 0 : index
    %get3A_9 = vector.load %arg3[%get3A_6, %get3A_7, %get3A_8] : memref<2x1000x1xf32, #tpu.memory_space<vmem>>, vector<1x1000x1xf32>
    %get3A_10 = vector.shape_cast %get3A_9 : vector<1x1000x1xf32> to vector<1000x1xf32>
    %add3A = arith.addf %get3A_5, %get3A_10 : vector<1000x1xf32>
    %add3A_11 = arith.constant 1.000000e+00 : f32
    %add3A_12 = vector.broadcast %add3A_11 : f32 to vector<1000x1xf32>
    %add3A_13 = arith.addf %add3A, %add3A_12 : vector<1000x1xf32>
    %rsqrt3A = math.rsqrt %add3A_13 : vector<1000x1xf32>
    %get3A_14 = arith.constant 0 : index
    %get3A_15 = arith.constant 0 : index
    %get3A_16 = arith.constant 0 : index
    %get3A_17 = vector.load %arg2[%get3A_14, %get3A_15, %get3A_16] : memref<2x1000x128xf32, #tpu.memory_space<vmem>>, vector<1x1000x128xf32>
    %get3A_18 = vector.shape_cast %get3A_17 : vector<1x1000x128xf32> to vector<1000x128xf32>
    %get3A_19 = arith.constant 1 : index
    %get3A_20 = arith.constant 0 : index
    %get3A_21 = arith.constant 0 : index
    %get3A_22 = vector.load %arg2[%get3A_19, %get3A_20, %get3A_21] : memref<2x1000x128xf32, #tpu.memory_space<vmem>>, vector<1x1000x128xf32>
    %get3A_23 = vector.shape_cast %get3A_22 : vector<1x1000x128xf32> to vector<1000x128xf32>
    %add3A_24 = arith.addf %get3A_18, %get3A_23 : vector<1000x128xf32>
    %broadcast_in_dim3A = vector.shape_cast %rsqrt3A : vector<1000x1xf32> to vector<1000x1xf32>
    %broadcast_in_dim3A_25 = vector.broadcast %broadcast_in_dim3A : vector<1000x1xf32> to vector<1000x128xf32>
    %mul3A = arith.mulf %add3A_24, %broadcast_in_dim3A_25 : vector<1000x128xf32>
    %convert_element_type3A_26 = arith.truncf %mul3A : vector<1000x128xf32> to vector<1000x128xbf16>
    %get3A_27 = arith.constant 0 : index
    %get3A_28 = arith.constant 0 : index
    %get3A_29 = vector.load %arg4[%get3A_27, %get3A_28] : memref<128x32xbf16, #tpu.memory_space<vmem>>, vector<128x32xbf16>
    %dot_general3A = arith.constant dense<0.000000e+00> : vector<1000x32xf32>
    %dot_general3A_30 = tpu.matmul %convert_element_type3A_26, %get3A_29, %dot_general3A {dimension_numbers = #tpu.dot_dimension_numbers<[1], [0], [0], [1], [0, 0, 1, 1], [], []>, transpose_lhs_hint = false} : vector<1000x128xbf16>, vector<128x32xbf16>, vector<1000x32xf32> -> vector<1000x32xf32>
    %get3A_31 = arith.constant 0 : index
    %get3A_32 = arith.constant 0 : index
    %get3A_33 = vector.load %arg5[%get3A_31, %get3A_32] : memref<1x32xf32, #tpu.memory_space<vmem>>, vector<1x32xf32>
    %add3A_34 = vector.broadcast %get3A_33 : vector<1x32xf32> to vector<1000x32xf32>
    %add3A_35 = arith.addf %dot_general3A_30, %add3A_34 : vector<1000x32xf32>
    %max3A = arith.constant 0.000000e+00 : f32
    %max3A_36 = vector.broadcast %max3A : f32 to vector<1000x32xf32>
    %max3A_37 = arith.maximumf %add3A_35, %max3A_36 : vector<1000x32xf32>
    %get3A_38 = arith.constant 0 : index
    %get3A_39 = arith.constant 0 : index
    %get3A_40 = arith.constant 0 : index
    %get3A_41 = vector.load %arg1[%get3A_38, %get3A_39, %get3A_40] : memref<1x1000x1xi32, #tpu.memory_space<vmem>>, vector<1x1000x1xi32>
    %get3A_42 = vector.shape_cast %get3A_41 : vector<1x1000x1xi32> to vector<1000x1xi32>
    %iota3A = tpu.iota {dimensions = array<i32: 1>} : vector<1000x64xi32>
    %eq3A_43 = vector.broadcast %get3A_42 : vector<1000x1xi32> to vector<1000x64xi32>
    %eq3A_44 = arith.cmpi eq, %eq3A_43, %iota3A : vector<1000x64xi32>
    %convert_element_type3A_45 = arith.extui %eq3A_44 : vector<1000x64xi1> to vector<1000x64xi32>
    %convert_element_type3A_46 = arith.sitofp %convert_element_type3A_45 : vector<1000x64xi32> to vector<1000x64xf32>
    %get3A_47 = arith.constant 0 : index
    %get3A_48 = arith.constant 0 : index
    %get3A_49 = vector.load %arg11[%get3A_47, %get3A_48] : memref<64x32xf32, #tpu.memory_space<vmem>>, vector<64x32xf32>
    %dot_general3A_50 = arith.constant dense<0.000000e+00> : vector<64x32xf32>
    %dot_general3A_51 = tpu.matmul %convert_element_type3A_46, %max3A_37, %dot_general3A_50 {dimension_numbers = #tpu.dot_dimension_numbers<[0], [0], [1], [1], [0, 1, 1, 1], [], []>, precision = #tpu.contract_precision<fp32>, transpose_lhs_hint = false} : vector<1000x64xf32>, vector<1000x32xf32>, vector<64x32xf32> -> vector<64x32xf32>
    %add3A_52 = arith.addf %get3A_49, %dot_general3A_51 : vector<64x32xf32>
    %swap3A = arith.constant 0 : index
    %swap3A_53 = arith.constant 0 : index
    %swap3A_54 = vector.load %arg11[%swap3A, %swap3A_53] : memref<64x32xf32, #tpu.memory_space<vmem>>, vector<64x32xf32>
    tpu.vector_store %arg11[%swap3A, %swap3A_53], %add3A_52 {strides = array<i32>} : memref<64x32xf32, #tpu.memory_space<vmem>>, vector<64x32xf32>,
    %get3A_55 = arith.constant 0 : index
    %get3A_56 = arith.constant 0 : index
    %get3A_57 = vector.load %arg12[%get3A_55, %get3A_56] : memref<64x32xf32, #tpu.memory_space<vmem>>, vector<64x32xf32>
    %broadcast_in_dim3A_58 = arith.constant 1.000000e+00 : f32
    %broadcast_in_dim3A_59 = vector.broadcast %broadcast_in_dim3A_58 : f32 to vector<1000x32xf32>
    %dot_general3A_60 = arith.constant dense<0.000000e+00> : vector<64x32xf32>
    %dot_general3A_61 = tpu.matmul %convert_element_type3A_46, %broadcast_in_dim3A_59, %dot_general3A_60 {dimension_numbers = #tpu.dot_dimension_numbers<[0], [0], [1], [1], [0, 1, 1, 1], [], []>, precision = #tpu.contract_precision<fp32>, transpose_lhs_hint = false} : vector<1000x64xf32>, vector<1000x32xf32>, vector<64x32xf32> -> vector<64x32xf32>
    %add3A_62 = arith.addf %get3A_57, %dot_general3A_61 : vector<64x32xf32>
    %swap3A_63 = arith.constant 0 : index
    %swap3A_64 = arith.constant 0 : index
    %swap3A_65 = vector.load %arg12[%swap3A_63, %swap3A_64] : memref<64x32xf32, #tpu.memory_space<vmem>>, vector<64x32xf32>
    tpu.vector_store %arg12[%swap3A_63, %swap3A_64], %add3A_62 {strides = array<i32>} : memref<64x32xf32, #tpu.memory_space<vmem>>, vector<64x32xf32>,
    %broadcast_in_dim3A_66 = vector.shape_cast %max3A_37 : vector<1000x32xf32> to vector<1000x1x32xf32>
    %broadcast_in_dim3A_67 = vector.shape_cast %broadcast_in_dim3A_66 : vector<1000x1x32xf32> to vector<1000x1x32xf32>
    %broadcast_in_dim3A_68 = vector.broadcast %broadcast_in_dim3A_67 : vector<1000x1x32xf32> to vector<1000x64x32xf32>
    %reshape3A = vector.shape_cast %broadcast_in_dim3A_68 : vector<1000x64x32xf32> to vector<1000x2048xf32>
    %iota3A_69 = tpu.iota {dimensions = array<i32: 1>} : vector<1x2048xi32>
    %jit3A = arith.constant 32 : i32
    %div3A = vector.broadcast %jit3A : i32 to vector<1x2048xi32>
    %div3A_70 = arith.divsi %iota3A_69, %div3A : vector<1x2048xi32>
    %sign3A = arith.constant 0 : i32
    %sign3A_71 = vector.broadcast %sign3A : i32 to vector<1x2048xi32>
    %sign3A_72 = arith.cmpi sgt, %iota3A_69, %sign3A_71 : vector<1x2048xi32>
    %sign3A_73 = arith.extui %sign3A_72 : vector<1x2048xi1> to vector<1x2048xi32>
    %sign3A_74 = arith.constant 0 : i32
    %sign3A_75 = vector.broadcast %sign3A_74 : i32 to vector<1x2048xi32>
    %sign3A_76 = arith.cmpi slt, %iota3A_69, %sign3A_75 : vector<1x2048xi32>
    %sign3A_77 = arith.extui %sign3A_76 : vector<1x2048xi1> to vector<1x2048xi32>
    %sign3A_78 = arith.subi %sign3A_73, %sign3A_77 : vector<1x2048xi32>
    %sign3A_79 = arith.constant 0 : i32
    %sign3A_80 = arith.cmpi sgt, %jit3A, %sign3A_79 : i32
    %sign3A_81 = arith.extui %sign3A_80 : i1 to i32
    %sign3A_82 = arith.constant 0 : i32
    %sign3A_83 = arith.cmpi slt, %jit3A, %sign3A_82 : i32
    %sign3A_84 = arith.extui %sign3A_83 : i1 to i32
    %sign3A_85 = arith.subi %sign3A_81, %sign3A_84 : i32
    %ne3A = vector.broadcast %sign3A_85 : i32 to vector<1x2048xi32>
    %ne3A_86 = arith.cmpi ne, %sign3A_78, %ne3A : vector<1x2048xi32>
    %rem3A = vector.broadcast %jit3A : i32 to vector<1x2048xi32>
    %rem3A_87 = arith.remsi %iota3A_69, %rem3A : vector<1x2048xi32>
    %ne3A_88 = arith.constant 0 : i32
    %ne3A_89 = vector.broadcast %ne3A_88 : i32 to vector<1x2048xi32>
    %ne3A_90 = arith.cmpi ne, %rem3A_87, %ne3A_89 : vector<1x2048xi32>
    %and3A = arith.andi %ne3A_86, %ne3A_90 : vector<1x2048xi1>
    %sub3A = arith.constant 1 : i32
    %sub3A_91 = vector.broadcast %sub3A : i32 to vector<1x2048xi32>
    %sub3A_92 = arith.subi %div3A_70, %sub3A_91 : vector<1x2048xi32>
    %select_n3A = arith.select %and3A, %sub3A_92, %div3A_70 : vector<1x2048xi1>, vector<1x2048xi32>
    %get3A_93 = arith.constant 0 : index
    %get3A_94 = arith.constant 0 : index
    %get3A_95 = arith.constant 0 : index
    %get3A_96 = vector.load %arg1[%get3A_93, %get3A_94, %get3A_95] : memref<1x1000x1xi32, #tpu.memory_space<vmem>>, vector<1x1000x1xi32>
    %get3A_97 = vector.shape_cast %get3A_96 : vector<1x1000x1xi32> to vector<1000x1xi32>
    %eq3A_98 = vector.broadcast %get3A_97 : vector<1000x1xi32> to vector<1000x2048xi32>
    %eq3A_99 = vector.broadcast %select_n3A : vector<1x2048xi32> to vector<1000x2048xi32>
    %eq3A_100 = arith.cmpi eq, %eq3A_98, %eq3A_99 : vector<1000x2048xi32>
    %get3A_101 = arith.constant 0 : index
    %get3A_102 = arith.constant 0 : index
    %get3A_103 = vector.load %arg10[%get3A_101, %get3A_102] : memref<1x2048xf32, #tpu.memory_space<vmem>>, vector<1x2048xf32>
    %jit3A_104 = arith.constant 0xFF800000 : f32
    %broadcast_in_dim3A_105 = vector.broadcast %jit3A_104 : f32 to vector<1000x2048xf32>
    %select_n3A_106 = arith.select %eq3A_100, %reshape3A, %broadcast_in_dim3A_105 : vector<1000x2048xi1>, vector<1000x2048xf32>
    %reduce_max3A = arith.constant dense<0xFF800000> : vector<2048xf32>
    %reduce_max3A_107 = vector.multi_reduction <maximumf>, %select_n3A_106, %reduce_max3A [0] : vector<1000x2048xf32> to vector<2048xf32>
    %broadcast_in_dim3A_108 = vector.shape_cast %reduce_max3A_107 : vector<2048xf32> to vector<1x2048xf32>
    %max3A_109 = arith.maximumf %get3A_103, %broadcast_in_dim3A_108 : vector<1x2048xf32>
    %swap3A_110 = arith.constant 0 : index
    %swap3A_111 = arith.constant 0 : index
    %swap3A_112 = vector.load %arg10[%swap3A_110, %swap3A_111] : memref<1x2048xf32, #tpu.memory_space<vmem>>, vector<1x2048xf32>
    tpu.vector_store %arg10[%swap3A_110, %swap3A_111], %max3A_109 {strides = array<i32>} : memref<1x2048xf32, #tpu.memory_space<vmem>>, vector<1x2048xf32>,
    %eq3A_113 = arith.constant 9 : i32
    %eq3A_114 = arith.cmpi eq, %arg0, %eq3A_113 : i32
    %convert_element_type3A_115 = arith.extui %eq3A_114 : i1 to i32
    %cond3A_116 = arith.constant 0 : i32
    %cond3A_117 = arith.cmpi ne, %convert_element_type3A_115, %cond3A_116 : i32
    scf.if %cond3A_117 {
      %get3A_118 = arith.constant 0 : index
      %get3A_119 = arith.constant 0 : index
      %get3A_120 = vector.load %arg11[%get3A_118, %get3A_119] : memref<64x32xf32, #tpu.memory_space<vmem>>, vector<64x32xf32>
      %get3A_121 = arith.constant 0 : index
      %get3A_122 = arith.constant 0 : index
      %get3A_123 = vector.load %arg12[%get3A_121, %get3A_122] : memref<64x32xf32, #tpu.memory_space<vmem>>, vector<64x32xf32>
      %max3A_124 = arith.constant 1.000000e+00 : f32
      %max3A_125 = vector.broadcast %max3A_124 : f32 to vector<64x32xf32>
      %max3A_126 = arith.maximumf %get3A_123, %max3A_125 : vector<64x32xf32>
      %div3A_127 = arith.divf %get3A_120, %max3A_126 : vector<64x32xf32>
      %convert_element_type3A_128 = arith.truncf %div3A_127 : vector<64x32xf32> to vector<64x32xbf16>
      %get3A_129 = arith.constant 0 : index
      %get3A_130 = arith.constant 0 : index
      %get3A_131 = vector.load %arg6[%get3A_129, %get3A_130] : memref<1x32xf32, #tpu.memory_space<vmem>>, vector<1x32xf32>
      %convert_element_type3A_132 = arith.truncf %get3A_131 : vector<1x32xf32> to vector<1x32xbf16>
      %dot_general3A_133 = arith.constant dense<0.000000e+00> : vector<1x64xf32>
      %dot_general3A_134 = tpu.matmul %convert_element_type3A_132, %convert_element_type3A_128, %dot_general3A_133 {dimension_numbers = #tpu.dot_dimension_numbers<[1], [1], [0], [0], [0, 0, 1, 0], [], []>, transpose_lhs_hint = false} : vector<1x32xbf16>, vector<64x32xbf16>, vector<1x64xf32> -> vector<1x64xf32>
      %get3A_135 = arith.constant 0 : index
      %get3A_136 = arith.constant 0 : index
      %get3A_137 = vector.load %arg10[%get3A_135, %get3A_136] : memref<1x2048xf32, #tpu.memory_space<vmem>>, vector<1x2048xf32>
      %max3A_138 = arith.constant -1.000000e+30 : f32
      %max3A_139 = vector.broadcast %max3A_138 : f32 to vector<1x2048xf32>
      %max3A_140 = arith.maximumf %get3A_137, %max3A_139 : vector<1x2048xf32>
      %convert_element_type3A_141 = arith.truncf %max3A_140 : vector<1x2048xf32> to vector<1x2048xbf16>
      %convert_element_type3A_142 = arith.extf %convert_element_type3A_141 : vector<1x2048xbf16> to vector<1x2048xf32>
      %get3A_143 = arith.constant 0 : index
      %get3A_144 = arith.constant 0 : index
      %get3A_145 = vector.load %arg7[%get3A_143, %get3A_144] : memref<1x2048xf32, #tpu.memory_space<vmem>>, vector<1x2048xf32>
      %convert_element_type3A_146 = arith.truncf %get3A_145 : vector<1x2048xf32> to vector<1x2048xbf16>
      %convert_element_type3A_147 = arith.extf %convert_element_type3A_146 : vector<1x2048xbf16> to vector<1x2048xf32>
      %mul3A_148 = arith.mulf %convert_element_type3A_142, %convert_element_type3A_147 : vector<1x2048xf32>
      %iota3A_149 = tpu.iota {dimensions = array<i32: 0>} : vector<64x2048xi32>
      %iota3A_150 = tpu.iota {dimensions = array<i32: 1>} : vector<64x2048xi32>
      %jit3A_151 = arith.constant 32 : i32
      %div3A_152 = vector.broadcast %jit3A_151 : i32 to vector<64x2048xi32>
      %div3A_153 = arith.divsi %iota3A_150, %div3A_152 : vector<64x2048xi32>
      %sign3A_154 = arith.constant 0 : i32
      %sign3A_155 = vector.broadcast %sign3A_154 : i32 to vector<64x2048xi32>
      %sign3A_156 = arith.cmpi sgt, %iota3A_150, %sign3A_155 : vector<64x2048xi32>
      %sign3A_157 = arith.extui %sign3A_156 : vector<64x2048xi1> to vector<64x2048xi32>
      %sign3A_158 = arith.constant 0 : i32
      %sign3A_159 = vector.broadcast %sign3A_158 : i32 to vector<64x2048xi32>
      %sign3A_160 = arith.cmpi slt, %iota3A_150, %sign3A_159 : vector<64x2048xi32>
      %sign3A_161 = arith.extui %sign3A_160 : vector<64x2048xi1> to vector<64x2048xi32>
      %sign3A_162 = arith.subi %sign3A_157, %sign3A_161 : vector<64x2048xi32>
      %sign3A_163 = arith.constant 0 : i32
      %sign3A_164 = arith.cmpi sgt, %jit3A_151, %sign3A_163 : i32
      %sign3A_165 = arith.extui %sign3A_164 : i1 to i32
      %sign3A_166 = arith.constant 0 : i32
      %sign3A_167 = arith.cmpi slt, %jit3A_151, %sign3A_166 : i32
      %sign3A_168 = arith.extui %sign3A_167 : i1 to i32
      %sign3A_169 = arith.subi %sign3A_165, %sign3A_168 : i32
      %ne3A_170 = vector.broadcast %sign3A_169 : i32 to vector<64x2048xi32>
      %ne3A_171 = arith.cmpi ne, %sign3A_162, %ne3A_170 : vector<64x2048xi32>
      %rem3A_172 = vector.broadcast %jit3A_151 : i32 to vector<64x2048xi32>
      %rem3A_173 = arith.remsi %iota3A_150, %rem3A_172 : vector<64x2048xi32>
      %ne3A_174 = arith.constant 0 : i32
      %ne3A_175 = vector.broadcast %ne3A_174 : i32 to vector<64x2048xi32>
      %ne3A_176 = arith.cmpi ne, %rem3A_173, %ne3A_175 : vector<64x2048xi32>
      %and3A_177 = arith.andi %ne3A_171, %ne3A_176 : vector<64x2048xi1>
      %sub3A_178 = arith.constant 1 : i32
      %sub3A_179 = vector.broadcast %sub3A_178 : i32 to vector<64x2048xi32>
      %sub3A_180 = arith.subi %div3A_153, %sub3A_179 : vector<64x2048xi32>
      %select_n3A_181 = arith.select %and3A_177, %sub3A_180, %div3A_153 : vector<64x2048xi1>, vector<64x2048xi32>
      %eq3A_182 = arith.cmpi eq, %iota3A_149, %select_n3A_181 : vector<64x2048xi32>
      %convert_element_type3A_183 = arith.extui %eq3A_182 : vector<64x2048xi1> to vector<64x2048xi32>
      %convert_element_type3A_184 = arith.sitofp %convert_element_type3A_183 : vector<64x2048xi32> to vector<64x2048xf32>
      %dot_general3A_185 = arith.constant dense<0.000000e+00> : vector<1x64xf32>
      %dot_general3A_186 = tpu.matmul %mul3A_148, %convert_element_type3A_184, %dot_general3A_185 {dimension_numbers = #tpu.dot_dimension_numbers<[1], [1], [0], [0], [0, 0, 1, 0], [], []>, precision = #tpu.contract_precision<fp32>, transpose_lhs_hint = false} : vector<1x2048xf32>, vector<64x2048xf32>, vector<1x64xf32> -> vector<1x64xf32>
      %add3A_187 = arith.addf %dot_general3A_134, %dot_general3A_186 : vector<1x64xf32>
      %get3A_188 = arith.constant 0 : index
      %get3A_189 = arith.constant 0 : index
      %get3A_190 = vector.load %arg8[%get3A_188, %get3A_189] : memref<1x64xf32, #tpu.memory_space<vmem>>, vector<1x64xf32>
      %add3A_191 = arith.addf %add3A_187, %get3A_190 : vector<1x64xf32>
      %swap3A_192 = arith.constant 0 : index
      %swap3A_193 = arith.constant 0 : index
      %swap3A_194 = vector.load %arg9[%swap3A_192, %swap3A_193] : memref<1x64xf32, #tpu.memory_space<vmem>>, vector<1x64xf32>
      tpu.vector_store %arg9[%swap3A_192, %swap3A_193], %add3A_191 {strides = array<i32>} : memref<1x64xf32, #tpu.memory_space<vmem>>, vector<1x64xf32>,
    } else {
    }
    return
  }
  func.func @transform_0(%arg0: i32) -> (i32, i32, i32) {
    %c0_i32 = arith.constant 0 : i32
    %c0_i32_0 = arith.constant 0 : i32
    %c0_i32_1 = arith.constant 0 : i32
    return %arg0, %c0_i32, %c0_i32_0 : i32, i32, i32
  }
  func.func @transform_1(%arg0: i32) -> (i32, i32, i32) {
    %c0_i32 = arith.constant 0 : i32
    %c0_i32_0 = arith.constant 0 : i32
    %c0_i32_1 = arith.constant 0 : i32
    return %c0_i32, %arg0, %c0_i32_0 : i32, i32, i32
  }
  func.func @transform_2(%arg0: i32) -> (i32, i32, i32) {
    %c0_i32 = arith.constant 0 : i32
    %c0_i32_0 = arith.constant 0 : i32
    %c0_i32_1 = arith.constant 0 : i32
    return %c0_i32, %arg0, %c0_i32_0 : i32, i32, i32
  }
  func.func @transform_3(%arg0: i32) -> (i32, i32) {
    %c0_i32 = arith.constant 0 : i32
    %c0_i32_0 = arith.constant 0 : i32
    %c0_i32_1 = arith.constant 0 : i32
    return %c0_i32, %c0_i32_0 : i32, i32
  }
  func.func @transform_4(%arg0: i32) -> (i32, i32) {
    %c0_i32 = arith.constant 0 : i32
    %c0_i32_0 = arith.constant 0 : i32
    %c0_i32_1 = arith.constant 0 : i32
    return %c0_i32, %c0_i32_0 : i32, i32
  }
  func.func @transform_5(%arg0: i32) -> (i32, i32) {
    %c0_i32 = arith.constant 0 : i32
    %c0_i32_0 = arith.constant 0 : i32
    %c0_i32_1 = arith.constant 0 : i32
    return %c0_i32, %c0_i32_0 : i32, i32
  }
  func.func @transform_6(%arg0: i32) -> (i32, i32) {
    %c0_i32 = arith.constant 0 : i32
    %c0_i32_0 = arith.constant 0 : i32
    %c0_i32_1 = arith.constant 0 : i32
    return %c0_i32, %c0_i32_0 : i32, i32
  }
  func.func @transform_7(%arg0: i32) -> (i32, i32) {
    %c0_i32 = arith.constant 0 : i32
    %c0_i32_0 = arith.constant 0 : i32
    %c0_i32_1 = arith.constant 0 : i32
    return %c0_i32, %c0_i32_0 : i32, i32
  }
  func.func @transform_8(%arg0: i32) -> (i32, i32) {
    %c0_i32 = arith.constant 0 : i32
    %c0_i32_0 = arith.constant 0 : i32
    %c0_i32_1 = arith.constant 0 : i32
    return %c0_i32, %c0_i32_0 : i32, i32
  }
}

</mosaic_0001>

<sc_bundles>
// kernel: kernel.6.cloned.1.call-start
scs
__scs_entry_jumppad:
0x0: {  	(pc) =	sbr.rel $0x88, $3  }
0x1: {  	(tag) =	ssettag $0x0;
	lr =	simm.s32 $0x1  }
0x2: {  	[smem:$0x3F9A] =	sst lr;
	_ =	strace $0xD0000000  }
0x3: {  	_ = 	snop  }
0x4: {  	_ = 	snop  }
0x5: {  	_ = 	snop  }
0x6: {  	_ = 	snop  }
0x7: {  	_ = 	snop  }
__scs_overlays_trampoline_lowered:
0x8: {  	[smem:$0x3FA9] =	sst s0  }
0x9: {  	[smem:$0x3FAA] =	sst s1  }
0xa: {  	[smem:$0x3FAB] =	sst s2  }
0xb: {  	[smem:$0x3FAC] =	sst s3  }
0xc: {  	[smem:$0x3FAD] =	sst s4  }
0xd: {  	[smem:$0x3FAE] =	sst s5  }
0xe: {  	[smem:$0x3FAF] =	sst s6  }
0xf: {  	[smem:$0x3FB0] =	sst s7  }
0x10: {  	[smem:$0x3FB1] =	sst s8  }
0x11: {  	[smem:$0x3FB2] =	sst s9;
	s0 =	simm.s32 @!p0 $0x0  }
0x12: {  	s1 =	sld [smem:$0x3F98];
	s0 =	simm.s32 @p0 $0x1  }
0x13: {  	[smem:$0x3FB3] =	sst s0;
	s0 =	simm.s32 @!p1 $0x0  }
0x14: {  	s2 =	sld [smem:$0x3F97];
	s0 =	simm.s32 @p1 $0x1  }
0x15: {  	[smem:$0x3FB4] =	sst s0;
	s0 =	simm.s32 @!p2 $0x0  }
0x16: {  	s3 =	sld [smem:$0x3FDB];
	s0 =	simm.s32 @p2 $0x1  }
0x17: {  	s4 =	simm.s32 $0x1BF5;
	[smem:$0x3FB6] =	sst s0  }
0x18: {  	s0 =	sld [smem:$0x3F99];
	_ =	swait.ge [sflag:s4], $0x0  }
0x19: {  	s7 =	sld [smem:$0x3F9A]  }
0x1a: {  	s8 =	sadd.s32 $0xFFFFE003, lr  }
0x1b: {  	s9 =	sadd.s32 $0xFFFFFEF7, lr;
	s5 =	simm.s32 $0xFFFFFFFF;
	p2 =	slt.u32 s8, $0xFFFFF086  }
0x1c: {  	p1 =	slt.u32 s9, $0xF7A;
	s5 =	simm.s32 @!p2 $0x0  }
0x1d: {  	s5 =	simm.s32 @p1 $0x1;
	p0 =	seq.s32 s7, s2  }
0x1e: {  	s7 =	smul.u32 @!p0 $0xF7A, s2;
	p2 =	seq.s32 @!p0 s5, $0x0  }
0x1f: {  	s9 =	smul.u32 $0xF7A, s1;
	s8 =	simm.s32 @!p0 $0x1BF5;
	p2 =	por !p2, p0  }
0x20: {  	[sflag:s8] =	ssyncset.s32 @!p0 $0xFFFFF086;
	s6 =	sadd.s32 @!p0 s3, s7;
	s7 =	simm.s32 @!p0 $0x108  }
0x21: {  	s3 =	sadd.s32 s3, s9;
	s6 =	sadd.s32 @!p0 $0x88, s6;
	s7 =	simm.s32 @p2 $0x1082  }
0x22: {  	[simem:s7], [sflag:s8] =	dma.local @!p0 [hbm:s6], $0xF7A  }
0x23: {  	s9 =	sor.u32 $0xD0000000, s2;
	s6 =	simm.s32 $0x108;
	_ =	swait.ge @!p0 [sflag:s8], $0x0  }
0x24: {  	s3 =	sadd.s32 $0x88, s3;
	s6 =	simm.s32 @!p1 $0x1082;
	[sflag:s4] =	ssyncset.s32 $0xFFFFF086  }
0x25: {  	[simem:s6], [sflag:s4] =	dma.local [hbm:s3], $0xF7A  }
0x26: {  	[smem:$0x3F9A] =	sst s1;
	(tag) =	ssettag s2;
	_ =	strace s9  }
0x27: {  	s1 =	sld [smem:$0x3FAA]  }
0x28: {  	s2 =	sld [smem:$0x3FAB]  }
0x29: {  	s4 =	sld [smem:$0x3FAD]  }
0x2a: {  	p0 =	seq.s32 s5, $0x0;
	s5 =	sld [smem:$0x3FAE]  }
0x2b: {  	s6 =	sld [smem:$0x3FAF]  }
0x2c: {  	s7 =	sld [smem:$0x3FB0]  }
0x2d: {  	s3 =	simm.s32 $0x108;
	s8 =	sld [smem:$0x3FB1]  }
0x2e: {  	s3 =	simm.s32 @!p0 $0x1082;
	s9 =	sld [smem:$0x3FB2]  }
0x2f: {  	lr =	sadd.s32 s0, s3;
	s0 =	sld [smem:$0x3FA9]  }
0x30: {  	s3 =	sld [smem:$0x3FAC]  }
0x31: {  	[smem:$0x3FB5] =	sst s10  }
0x32: {  	s10 =	sld [smem:$0x3FB3];
	_ =	sdelay $0x3  }
0x33: {  	p0 =	seq.s32 s10, $0x1;
	s10 =	sld [smem:$0x3FB5];
	_ =	sdelay $0x3  }
0x34: {  	[smem:$0x3FB5] =	sst s10  }
0x35: {  	s10 =	sld [smem:$0x3FB4];
	_ =	sdelay $0x3  }
0x36: {  	p1 =	seq.s32 s10, $0x1;
	s10 =	sld [smem:$0x3FB5];
	_ =	sdelay $0x3  }
0x37: {  	[smem:$0x3FB5] =	sst s10  }
0x38: {  	s10 =	sld [smem:$0x3FB6]  }
0x39: {  	_ = 	snop;
	(pc) =	sbr.ind lr, $3  }
0x3a: {  	_ = 	snop  }
0x3b: {  	_ = 	snop  }
0x3c: {  	p2 =	seq.s32 s10, $0x1;
	s10 =	sld [smem:$0x3FB5]  }
0x3d: {  	_ =	shalt  }
0x3e: {  	_ =	shalt  }
0x3f: {  	_ =	shalt  }
0x40: {  	_ =	shalt  }
0x41: {  	_ =	shalt  }
0x42: {  	_ =	shalt  }
0x43: {  	_ =	shalt  }
0x44: {  	_ =	shalt  }
0x45: {  	_ =	shalt  }
0x46: {  	_ =	shalt  }
0x47: {  	_ =	shalt  }
0x48: {  	_ =	shalt  }
0x49: {  	_ =	shalt  }
0x4a: {  	_ =	shalt  }
0x4b: {  	_ =	shalt  }
0x4c: {  	_ =	shalt  }
0x4d: {  	_ =	shalt  }
0x4e: {  	_ =	shalt  }
0x4f: {  	_ =	shalt  }
0x50: {  	_ =	shalt  }
0x51: {  	_ =	shalt  }
0x52: {  	_ =	shalt  }
0x53: {  	_ =	shalt  }
0x54: {  	_ =	shalt  }
0x55: {  	_ =	shalt  }
0x56: {  	_ =	shalt  }
0x57: {  	_ =	shalt  }
0x58: {  	_ =	shalt  }
0x59: {  	_ =	shalt  }
0x5a: {  	_ =	shalt  }
0x5b: {  	_ =	shalt  }
0x5c: {  	_ =	shalt  }
0x5d: {  	_ =	shalt  }
0x5e: {  	_ =	shalt  }
0x5f: {  	_ =	shalt  }
0x60: {  	_ =	shalt  }
0x61: {  	_ =	shalt  }
0x62: {  	_ =	shalt  }
0x63: {  	_ =	shalt  }
0x64: {  	_ =	shalt  }
0x65: {  	_ =	shalt  }
0x66: {  	_ =	shalt  }
0x67: {  	_ =	shalt  }
0x68: {  	_ =	shalt  }
0x69: {  	_ =	shalt  }
0x6a: {  	_ =	shalt  }
0x6b: {  	_ =	shalt  }
0x6c: {  	_ =	shalt  }
0x6d: {  	_ =	shalt  }
0x6e: {  	_ =	shalt  }
0x6f: {  	_ =	shalt  }
0x70: {  	_ =	shalt  }
0x71: {  	_ =	shalt  }
0x72: {  	_ =	shalt  }
0x73: {  	_ =	shalt  }
0x74: {  	_ =	shalt  }
0x75: {  	_ =	shalt  }
0x76: {  	_ =	shalt  }
0x77: {  	_ =	shalt  }
0x78: {  	_ =	shalt  }
0x79: {  	_ =	shalt  }
0x7a: {  	_ =	shalt  }
0x7b: {  	_ =	shalt  }
0x7c: {  	_ =	shalt  }
0x7d: {  	_ =	shalt  }
0x7e: {  	_ =	shalt  }
0x7f: {  	_ =	shalt  }
0x80: {  	_ =	shalt  }
0x81: {  	_ =	shalt  }
0x82: {  	_ =	shalt  }
0x83: {  	_ =	shalt  }
0x84: {  	_ =	shalt  }
0x85: {  	_ =	shalt  }
0x86: {  	_ =	shalt  }
0x87: {  	_ =	shalt  }
.Lfunc_end0:
.L_simem_size_0:
called_computation_lowered:
.L_overlay_start_0:
0x88: {  	s2 =	sld [smem:$0x3FD9]  }
0x89: {  	s3 =	sld [smem:$0x3FFE];
	_ =	sdelay $0x1  }
0x8a: {  	s1 =	srdreg.scid  }
0x8b: {  	s0 =	sand.u32 $0x1, s1  }
0x8c: {  	s16 =	sshll.u32 s0, $0xA;
	s2 =	sadd.s32 s3, s2  }
0x8d: {  	s2 =	sadd.s32 s2, s16  }
0x8e: {  	[smem:$0x3FC1] =	sst s2  }
0x8f: {  	_ = 	snop  }
0x90: {  	(tm) =	ssettm $0x1  }
0x91: {  	s17 =	sld [smem:$0x3FFB];
	_ =	sdelay $0x3  }
0x92: {  	_ =	strace s17  }
0x93: {  	s2 =	sld [smem:$0x3FFC];
	_ =	sdelay $0x3  }
0x94: {  	_ =	strace s2  }
0x95: {  	s2 =	sld [smem:$0x3FFD];
	_ =	sdelay $0x3  }
0x96: {  	_ =	strace s2  }
0x97: {  	_ =	strace $0x8FFFFFFF  }
0x98: {  	s18 =	sld [smem:$0x3FDB];
	_ =	sdelay $0x1  }
0x99: {  	s19 =	simm.s32 $_scs_section_size  }
0x9a: {  	s4 =	simm.s32 $_size__tile_overlayer_lowered;
	s5 =	simm.s32 $_tile_overlayer_lowered  }
0x9b: {  	s22 =	simm.s32 $0x1BFF;
	s21 =	sshll.u32 s5, $0x1;
	s2 =	sadd.s32 s19, s18  }
0x9c: {  	s6 =	simm.s32 $0x0;
	s20 =	sshll.u32 s4, $0x1;
	s4 =	sadd.s32 s21, s2  }
0x9d: {  	[timem:s6], [sflag:s22] =	dma.local [hbm:s4], s20  }
0x9e: {  	_ =	swait.ge [sflag:s22], s20  }
0x9f: {  	s3 =	ssub.s32 $0x0, s20;
	[sflag:s22] =	ssyncset.done $0x0  }
0xa0: {  	[sflag:s22] =	ssyncadd.s32 s3;
	_ =	sdelay $0x1  }
0xa1: {  	s23 =	simm.s32 $0x1B8B  }
0xa2: {  	_ =	swait.ge [sflag:s23], $0x1  }
0xa3: {  	[sflag:s23] =	ssyncset.done $0x0  }
0xa4: {  	s25 =	simm.s32 $0x1B8E;
	s24 =	sld [smem:$0x3FFE];
	[sflag:s23] =	ssyncadd.s32 $0xFFFFFFFF  }
0xa5: {  	s26 =	simm.s32 $execute0_lowered;
	[smem:$0x3FD2] =	sst s25  }
0xa6: {  	s4 =	sshll.u32 s26, $0x1;
	_ =	strace $0x80000046;
	[dreg:$0x1] =	wrdreg $0xFFFFFFFF  }
0xa7: {  	s28 =	simm.s32 $_size_execute0_lowered;
	s2 =	sadd.s32 s2, s4;
	[dreg:$0x0] =	wrdreg $0x0  }
0xa8: {  	s4 =	sshll.u32 s28, $0x1;
	[dreg:$0x2] =	wrdreg s2  }
0xa9: {  	[dreg:$0x3] =	wrdreg s4  }
0xaa: {  	[dreg:$0x4] =	wrdreg $0xC0  }
0xab: {  	_ =	task [dreg:s6], $0x5FFFF  }
0xac: {  	[dreg:$0x1] =	wrdreg $0xFFFFFFFF  }
0xad: {  	[dreg:$0x0] =	wrdreg $0x60  }
0xae: {  	[dreg:$0x2] =	wrdreg s24  }
0xaf: {  	[dreg:$0x3] =	wrdreg $0x2B000  }
0xb0: {  	[dreg:$0x4] =	wrdreg $0x9  }
0xb1: {  	_ =	task.clear_ibuf [dreg:s6], $0x5FFFF;
	_ =	strace $0x90000046  }
0xb2: {  	s29 =	simm.s32 $0x9;
	_ =	strace $0x80000048  }
0xb3: {  	_ =	swait.ge [sflag:s29], $0x1  }
0xb4: {  	[sflag:s29] =	ssyncadd.s32 $0xFFFFFFFF  }
0xb5: {  	_ =	strace $0x90000048  }
0xb6: {  	_ =	sfence  }
0xb7: {  	s30 =	sld [smem:$0x0];
	_ =	sdelay $0x2  }
0xb8: {  	s31 =	sshll.u32 s1, $0xD;
	s1 =	sshrl.u32 s1, $0x2  }
0xb9: {  	s3 =	sand.u32 $0x4000, s31;
	s1 =	sadd.s32 s1, s30  }
0xba: {  	s0 =	sor.u32 s3, s0;
	s1 =	sshll.u32 s1, $0x11  }
0xbb: {  	s0 =	sor.u32 s1, s0  }
0xbc: {  	s0 =	sadd.s32 $0x8F2B, s0  }
0xbd: {  	[sflag:s0] =	ssyncadd.remote.s32 $0x1  }
0xbe: {  	_ =	sfence.sel $0xFFFF  }
0xbf: {  	[dreg:$0x0] =	wrdreg $0xFFFFFFFF;
	(pc) =	sbr.abs _section_cstart, $3  }
0xc0: {  	[dreg:$0x1] =	wrdreg $0xFFFFFFFF  }
0xc1: {  	_ =	task.clear_ibuf [dreg:s6], $0x2FFFF;
	_ =	strace $0x9FFFFFFF  }
0xc2: {  	(tm) =	ssettm $0x7FFFFFFF  }
0xc3: {  	_ =	shalt  }
tec
execute0_lowered:
.L_overlay_start_1:
0x0: {  	(tag) =	ssettag $0x1  }
0x1: {  	s4 =	rddreg [dreg:$0x0]  }
0x2: {  	s2 =	rddreg [dreg:$0x1];
	s3 =	srdreg.scid  }
0x3: {  	s0 =	rddreg [dreg:$0x2];
	s1 =	stileid.u32;
	s10 =	simm.s32 $0x80  }
0x4: {  	s11 =	simm.s32 $0x2800;
	s12 =	simm.s32 $0x1;
	s15 =	simm.s32 $0x20  }
0x5: {  	s16 =	simm.s32 $0x10;
	s17 =	simm.s32 $0x0;
	s6 =	smul.u32 $0x500, s1  }
0x6: {  	s5 =	sand.u32 $0x1, s3;
	s3 =	simm.s32 $0x0;
	s30 =	smul.u32 $0xA00, s1  }
0x7: {  	s13 =	sshll.u32 s1, $0x6;
	s7 =	sshll.u32 s5, $0x4;
	[smem:$0x7FF] =	sst s3  }
0x8: {  	s8 =	sshll.u32 s5, $0x7;
	s5 =	ssub.s32 $0x2, s5;
	s7 =	sor.u32 s1, s7  }
0x9: {  	s13 =	sor.u32 $0x1C02, s13;
	_ =	strace $0x80000047;
	s7 =	smul.u32 $0x2800, s7  }
0xa: {  	s6 =	sor.u32 s8, s6;
	s9 =	sshrl.u32 s5, $0x1;
	s31 =	sshrl.u32 s30, $0x2  }
0xb: {  	s8 =	simm.s32 $0x2880;
	s6 =	sshrl.u32 s6, $0x3;
	s7 =	sshrl.u32 s7, $0x3  }
0xc: {  	s9 =	ssub.s32 s5, s9;
	s6 =	sadd.s32 s6, s4;
	s7 =	sadd.s32 s4, s7  }
0xd: {  	s6 =	sadd.s32 $0x16000, s6;
	s4 =	sadd.s32 s31, s2;
	s5 =	sadd.s32 $0xC000, s7  }
0xe: {  	v0 =	vimm.f32 $0.0e+00;
	v1 =	vimm.f32 $1.000000000e+00;
	s7 =	smax.u32 s9, $0x1;
	s9 =	simm.s32 $0x2;
	s14 =	sshrl.u32 s4, $0x3  }
.LBB2_1:
0xf: {  	[tilespmem:$0x2880] =	vst v0  }
0x10: {  	[tilespmem:$0x2890] =	vst v0  }
0x11: {  	[tilespmem:$0x28A0] =	vst v0  }
0x12: {  	[tilespmem:$0x28B0] =	vst v0  }
0x13: {  	[tilespmem:$0x28C0] =	vst v0  }
0x14: {  	[tilespmem:$0x28D0] =	vst v0  }
0x15: {  	[tilespmem:$0x28E0] =	vst v0  }
0x16: {  	[tilespmem:$0x28F0] =	vst v0  }
0x17: {  	[tilespmem:$0x2900] =	vst v0  }
0x18: {  	[tilespmem:$0x2910] =	vst v0  }
0x19: {  	[tilespmem:$0x2920] =	vst v0  }
0x1a: {  	[tilespmem:$0x2930] =	vst v0  }
0x1b: {  	[tilespmem:$0x2940] =	vst v0  }
0x1c: {  	[tilespmem:$0x2950] =	vst v0  }
0x1d: {  	[tilespmem:$0x2960] =	vst v0  }
0x1e: {  	[tilespmem:$0x2970] =	vst v0  }
0x1f: {  	[tilespmem:$0x2980] =	vst v0  }
0x20: {  	[tilespmem:$0x2990] =	vst v0  }
0x21: {  	[tilespmem:$0x29A0] =	vst v0  }
0x22: {  	[tilespmem:$0x29B0] =	vst v0  }
0x23: {  	[tilespmem:$0x29C0] =	vst v0  }
0x24: {  	[tilespmem:$0x29D0] =	vst v0  }
0x25: {  	[tilespmem:$0x29E0] =	vst v0  }
0x26: {  	[tilespmem:$0x29F0] =	vst v0  }
0x27: {  	[tilespmem:$0x2A00] =	vst v0  }
0x28: {  	[tilespmem:$0x2A10] =	vst v0  }
0x29: {  	[tilespmem:$0x2A20] =	vst v0  }
0x2a: {  	[tilespmem:$0x2A30] =	vst v0  }
0x2b: {  	[tilespmem:$0x2A40] =	vst v0  }
0x2c: {  	[tilespmem:$0x2A50] =	vst v0  }
0x2d: {  	[tilespmem:$0x2A60] =	vst v0  }
0x2e: {  	[tilespmem:$0x2A70] =	vst v0  }
0x2f: {  	[tilespmem:$0x2A80] =	vst v0  }
0x30: {  	[tilespmem:$0x2A90] =	vst v0  }
0x31: {  	[tilespmem:$0x2AA0] =	vst v0  }
0x32: {  	[tilespmem:$0x2AB0] =	vst v0  }
0x33: {  	[tilespmem:$0x2AC0] =	vst v0  }
0x34: {  	[tilespmem:$0x2AD0] =	vst v0  }
0x35: {  	[tilespmem:$0x2AE0] =	vst v0  }
0x36: {  	[tilespmem:$0x2AF0] =	vst v0  }
0x37: {  	[tilespmem:$0x2800] =	vst v1  }
0x38: {  	[tilespmem:$0x2810] =	vst v1  }
0x39: {  	[tilespmem:$0x2820] =	vst v1  }
0x3a: {  	[tilespmem:$0x2830] =	vst v1  }
0x3b: {  	[tilespmem:$0x2840] =	vst v1  }
0x3c: {  	[tilespmem:$0x2850] =	vst v1  }
0x3d: {  	[tilespmem:$0x2860] =	vst v1  }
0x3e: {  	[tilespmem:$0x2870] =	vst v1  }
0x3f: {  	[spmem:s4] =	stream.linear.scatter [tilespmem:s8], [sflag:$0x2], $0x280, $0x38;
	[tilespmem:$0x2D80] =	vst v63  }
0x40: {  	_ =	swait.ge [sflag:s9], $0x280  }
0x41: {  	[sflag:s9] =	ssyncset.done $0x0  }
0x42: {  	[sflag:s9] =	ssyncadd.s32 $0xFFFFFD80  }
0x43: {  	[bflag:$0x0] =	sbarrier.arrive $0xFFFF  }
0x44: {  	[tilespmem:s3], [sflag:$0x2] =	stream.linear.gather [hbm4b:s5+s3], $0x2800, $0x38;
	[tilespmem:$0x2D80] =	vst v63  }
0x45: {  	_ =	swait.ge [sflag:s9], $0x2800  }
0x46: {  	[sflag:s9] =	ssyncset.done $0x0  }
0x47: {  	s18 =	simm.s32 $0x0;
	[sflag:s9] =	ssyncadd.s32 $0xFFFFD800  }
0x48: {  	[spmem:s2] =	stream.indirect.scatter.add.f32 [tilespmem:s11], [sflag:$0x1], $0x1, s18, s10, $0xb8;
	[tilespmem:$0x2D80] =	vst v63  }
0x49: {  	s24 =	simm.s32 $0x80  }
0x4a: {  	[spmem:s2] =	stream.indirect.scatter.add.f32 [tilespmem:s11], [sflag:$0x1], $0x1, s24, s10, $0xb8;
	[tilespmem:$0x2D80] =	vst v63  }
0x4b: {  	s25 =	simm.s32 $0x100  }
0x4c: {  	[spmem:s2] =	stream.indirect.scatter.add.f32 [tilespmem:s11], [sflag:$0x1], $0x1, s25, s10, $0xb8;
	[tilespmem:$0x2D80] =	vst v63  }
0x4d: {  	s26 =	simm.s32 $0x180  }
0x4e: {  	[spmem:s2] =	stream.indirect.scatter.add.f32 [tilespmem:s11], [sflag:$0x1], $0x1, s26, s10, $0xb8;
	[tilespmem:$0x2D80] =	vst v63  }
0x4f: {  	s28 =	simm.s32 $0x200  }
0x50: {  	[spmem:s2] =	stream.indirect.scatter.add.f32 [tilespmem:s11], [sflag:$0x1], $0x1, s28, s10, $0xb8;
	[tilespmem:$0x2D80] =	vst v63  }
0x51: {  	s29 =	simm.s32 $0x280  }
0x52: {  	[spmem:s2] =	stream.indirect.scatter.add.f32 [tilespmem:s11], [sflag:$0x1], $0x1, s29, s10, $0xb8;
	[tilespmem:$0x2D80] =	vst v63  }
0x53: {  	s30 =	simm.s32 $0x300  }
0x54: {  	[spmem:s2] =	stream.indirect.scatter.add.f32 [tilespmem:s11], [sflag:$0x1], $0x1, s30, s10, $0xb8;
	[tilespmem:$0x2D80] =	vst v63  }
0x55: {  	s31 =	simm.s32 $0x380  }
0x56: {  	[spmem:s2] =	stream.indirect.scatter.add.f32 [tilespmem:s11], [sflag:$0x1], $0x1, s31, s10, $0xb8;
	[tilespmem:$0x2D80] =	vst v63  }
0x57: {  	_ =	swait.ge [sflag:s12], $0x80  }
0x58: {  	[sflag:s12] =	ssyncset.done $0x0  }
0x59: {  	[sflag:s12] =	ssyncadd.s32 $0xFFFFFF80  }
0x5a: {  	_ =	swait.ge [sflag:s12], $0x80  }
0x5b: {  	[sflag:s12] =	ssyncset.done $0x0  }
0x5c: {  	[sflag:s12] =	ssyncadd.s32 $0xFFFFFF80  }
0x5d: {  	_ =	swait.ge [sflag:s12], $0x80  }
0x5e: {  	[sflag:s12] =	ssyncset.done $0x0  }
0x5f: {  	[sflag:s12] =	ssyncadd.s32 $0xFFFFFF80  }
0x60: {  	_ =	swait.ge [sflag:s12], $0x80  }
0x61: {  	[sflag:s12] =	ssyncset.done $0x0  }
0x62: {  	[sflag:s12] =	ssyncadd.s32 $0xFFFFFF80  }
0x63: {  	_ =	swait.ge [sflag:s12], $0x80  }
0x64: {  	[sflag:s12] =	ssyncset.done $0x0  }
0x65: {  	[sflag:s12] =	ssyncadd.s32 $0xFFFFFF80  }
0x66: {  	_ =	swait.ge [sflag:s12], $0x80  }
0x67: {  	[sflag:s12] =	ssyncset.done $0x0  }
0x68: {  	[sflag:s12] =	ssyncadd.s32 $0xFFFFFF80  }
0x69: {  	_ =	swait.ge [sflag:s12], $0x80  }
0x6a: {  	[sflag:s12] =	ssyncset.done $0x0  }
0x6b: {  	[sflag:s12] =	ssyncadd.s32 $0xFFFFFF80  }
0x6c: {  	_ =	swait.ge [sflag:s12], $0x80  }
0x6d: {  	s20 =	simm.s32 $0x2000;
	s18 =	simm.s32 $0x1000;
	[sflag:s12] =	ssyncset.done $0x0  }
.LBB2_2:
0x6e: {  	s21 =	sshra.s32 s18, $0x2  }
0x6f: {  	[sflag:s12] =	ssyncadd.s32 $0xFFFFFF80;
	s18 =	smov.u32 s20;
	s19 =	sadd.s32 $0x1000, s20  }
0x70: {  	[spmem:s2] =	stream.indirect.scatter.add.f32 [tilespmem:s11], [sflag:$0x1], $0x1, s21, s10, $0xb8;
	[tilespmem:$0x2D80] =	vst v63  }
0x71: {  	p0 =	sne.s32 s20, $0x9000;
	s20 =	sadd.s32 $0x80, s21  }
0x72: {  	[spmem:s2] =	stream.indirect.scatter.add.f32 [tilespmem:s11], [sflag:$0x1], $0x1, s20, s10, $0xb8;
	[tilespmem:$0x2D80] =	vst v63  }
0x73: {  	s20 =	sadd.s32 $0x100, s21  }
0x74: {  	[spmem:s2] =	stream.indirect.scatter.add.f32 [tilespmem:s11], [sflag:$0x1], $0x1, s20, s10, $0xb8;
	[tilespmem:$0x2D80] =	vst v63  }
0x75: {  	s20 =	sadd.s32 $0x180, s21  }
0x76: {  	[spmem:s2] =	stream.indirect.scatter.add.f32 [tilespmem:s11], [sflag:$0x1], $0x1, s20, s10, $0xb8;
	[tilespmem:$0x2D80] =	vst v63  }
0x77: {  	s20 =	sadd.s32 $0x200, s21  }
0x78: {  	[spmem:s2] =	stream.indirect.scatter.add.f32 [tilespmem:s11], [sflag:$0x1], $0x1, s20, s10, $0xb8;
	[tilespmem:$0x2D80] =	vst v63  }
0x79: {  	s20 =	sadd.s32 $0x280, s21  }
0x7a: {  	[spmem:s2] =	stream.indirect.scatter.add.f32 [tilespmem:s11], [sflag:$0x1], $0x1, s20, s10, $0xb8;
	[tilespmem:$0x2D80] =	vst v63  }
0x7b: {  	s20 =	sadd.s32 $0x300, s21  }
0x7c: {  	[spmem:s2] =	stream.indirect.scatter.add.f32 [tilespmem:s11], [sflag:$0x1], $0x1, s20, s10, $0xb8;
	[tilespmem:$0x2D80] =	vst v63  }
0x7d: {  	s20 =	sadd.s32 $0x380, s21  }
0x7e: {  	[spmem:s2] =	stream.indirect.scatter.add.f32 [tilespmem:s11], [sflag:$0x1], $0x1, s20, s10, $0xb8;
	[tilespmem:$0x2D80] =	vst v63  }
0x7f: {  	_ =	swait.ge [sflag:s12], $0x80  }
0x80: {  	[sflag:s12] =	ssyncset.done $0x0  }
0x81: {  	[sflag:s12] =	ssyncadd.s32 $0xFFFFFF80  }
0x82: {  	_ =	swait.ge [sflag:s12], $0x80  }
0x83: {  	[sflag:s12] =	ssyncset.done $0x0  }
0x84: {  	[sflag:s12] =	ssyncadd.s32 $0xFFFFFF80  }
0x85: {  	_ =	swait.ge [sflag:s12], $0x80  }
0x86: {  	[sflag:s12] =	ssyncset.done $0x0  }
0x87: {  	[sflag:s12] =	ssyncadd.s32 $0xFFFFFF80  }
0x88: {  	_ =	swait.ge [sflag:s12], $0x80  }
0x89: {  	[sflag:s12] =	ssyncset.done $0x0  }
0x8a: {  	[sflag:s12] =	ssyncadd.s32 $0xFFFFFF80  }
0x8b: {  	_ =	swait.ge [sflag:s12], $0x80  }
0x8c: {  	[sflag:s12] =	ssyncset.done $0x0  }
0x8d: {  	[sflag:s12] =	ssyncadd.s32 $0xFFFFFF80  }
0x8e: {  	_ =	swait.ge [sflag:s12], $0x80  }
0x8f: {  	[sflag:s12] =	ssyncset.done $0x0  }
0x90: {  	[sflag:s12] =	ssyncadd.s32 $0xFFFFFF80  }
.Ltmp0:
0x91: {  	_ =	swait.ge [sflag:s12], $0x80;
	(pc) =	sbr.rel @p0 .LBB2_2-.Ltmp0, $4  }
0x92: {  	[sflag:s12] =	ssyncset.done $0x0  }
0x93: {  	[sflag:s12] =	ssyncadd.s32 $0xFFFFFF80  }
0x94: {  	_ =	swait.ge [sflag:s12], $0x80  }
0x95: {  	s20 =	smov.u32 s19;
	[sflag:s12] =	ssyncset.done $0x0  }
0x96: {  	s18 =	sshra.s32 s18, $0x2;
	[sflag:s12] =	ssyncadd.s32 $0xFFFFFF80  }
0x97: {  	[spmem:s2] =	stream.indirect.scatter.add.f32 [tilespmem:s11], [sflag:$0x1], $0x1, s18, s10, $0xb8;
	[tilespmem:$0x2D80] =	vst v63  }
0x98: {  	s19 =	sadd.s32 $0x80, s18  }
0x99: {  	[spmem:s2] =	stream.indirect.scatter.add.f32 [tilespmem:s11], [sflag:$0x1], $0x1, s19, s10, $0xb8;
	[tilespmem:$0x2D80] =	vst v63  }
0x9a: {  	s26 =	sadd.s32 $0x100, s18  }
0x9b: {  	[spmem:s2] =	stream.indirect.scatter.add.f32 [tilespmem:s11], [sflag:$0x1], $0x1, s26, s10, $0xb8;
	[tilespmem:$0x2D80] =	vst v63  }
0x9c: {  	s28 =	sadd.s32 $0x180, s18  }
0x9d: {  	[spmem:s2] =	stream.indirect.scatter.add.f32 [tilespmem:s11], [sflag:$0x1], $0x1, s28, s10, $0xb8;
	[tilespmem:$0x2D80] =	vst v63  }
0x9e: {  	s29 =	sadd.s32 $0x200, s18  }
0x9f: {  	[spmem:s2] =	stream.indirect.scatter.add.f32 [tilespmem:s11], [sflag:$0x1], $0x1, s29, s10, $0xb8;
	[tilespmem:$0x2D80] =	vst v63  }
0xa0: {  	s30 =	sadd.s32 $0x280, s18  }
0xa1: {  	[spmem:s2] =	stream.indirect.scatter.add.f32 [tilespmem:s11], [sflag:$0x1], $0x1, s30, s10, $0xb8;
	[tilespmem:$0x2D80] =	vst v63  }
0xa2: {  	s31 =	sadd.s32 $0x300, s18  }
0xa3: {  	[spmem:s2] =	stream.indirect.scatter.add.f32 [tilespmem:s11], [sflag:$0x1], $0x1, s31, s10, $0xb8;
	[tilespmem:$0x2D80] =	vst v63  }
0xa4: {  	s18 =	sadd.s32 $0x380, s18  }
0xa5: {  	[spmem:s2] =	stream.indirect.scatter.add.f32 [tilespmem:s11], [sflag:$0x1], $0x1, s18, s10, $0xb8;
	[tilespmem:$0x2D80] =	vst v63  }
0xa6: {  	_ =	swait.ge [sflag:s12], $0x80  }
0xa7: {  	[sflag:s12] =	ssyncset.done $0x0  }
0xa8: {  	[sflag:s12] =	ssyncadd.s32 $0xFFFFFF80  }
0xa9: {  	_ =	swait.ge [sflag:s12], $0x80  }
0xaa: {  	[sflag:s12] =	ssyncset.done $0x0  }
0xab: {  	[sflag:s12] =	ssyncadd.s32 $0xFFFFFF80  }
0xac: {  	_ =	swait.ge [sflag:s12], $0x80  }
0xad: {  	[sflag:s12] =	ssyncset.done $0x0  }
0xae: {  	[sflag:s12] =	ssyncadd.s32 $0xFFFFFF80  }
0xaf: {  	_ =	swait.ge [sflag:s12], $0x80  }
0xb0: {  	[sflag:s12] =	ssyncset.done $0x0  }
0xb1: {  	[sflag:s12] =	ssyncadd.s32 $0xFFFFFF80  }
0xb2: {  	_ =	swait.ge [sflag:s12], $0x80  }
0xb3: {  	[sflag:s12] =	ssyncset.done $0x0  }
0xb4: {  	[sflag:s12] =	ssyncadd.s32 $0xFFFFFF80  }
0xb5: {  	_ =	swait.ge [sflag:s12], $0x80  }
0xb6: {  	[sflag:s12] =	ssyncset.done $0x0  }
0xb7: {  	[sflag:s12] =	ssyncadd.s32 $0xFFFFFF80  }
0xb8: {  	_ =	swait.ge [sflag:s12], $0x80  }
0xb9: {  	[sflag:s12] =	ssyncset.done $0x0  }
0xba: {  	[sflag:s12] =	ssyncadd.s32 $0xFFFFFF80  }
0xbb: {  	_ =	swait.ge [sflag:s12], $0x80  }
0xbc: {  	s17 =	sadd.s32 $0x1, s17;
	[sflag:s12] =	ssyncset.done $0x0  }
0xbd: {  	p0 =	sne.s32 s17, s7;
	[sflag:s12] =	ssyncadd.s32 $0xFFFFFF80  }
.Ltmp1:
0xbe: {  	[bflag:$0x0] =	sbarrier.arrive $0xFFFF;
	(pc) =	sbr.rel @p0 .LBB2_1-.Ltmp1, $4  }
0xbf: {  	[hbm:s6@s15], [sflag:s13] =	dma.strided [spmem:s14@s16], $0x50, s12, $0x10   }
0xc0: {  	_ =	swait.ge [sflag:s9], $0x50  }
0xc1: {  	[sflag:s9] =	ssyncset.done $0x0  }
0xc2: {  	[sflag:s9] =	ssyncadd.s32 $0xFFFFFFB0  }
0xc3: {  	_ =	sfence.sel $0x180000  }
0xc4: {  	[bflag:$0x0] =	sbarrier.arrive $0xFFFF  }
0xc5: {  	p0 =	sne.s32 s1, $0x0;
	_ =	strace $0x90000047  }
0xc6: {  	s0 =	sadd.s32 @!p0 $0x100000, s0;
	[bflag:$0x2] =	sbarrier.arrive $0xFFFF  }
0xc7: {  	[sflag:s0] =	ssyncadd.tile.s32 @!p0 $0x1;
	_ =	shalt  }
.Lfunc_end2:
_tile_overlayer_lowered:
.L_overlay_start_2:
0xc8: {  	(tag) =	ssettag $0x2  }
0xc9: {  	s0 =	rddreg [dreg:$0x0];
	s2 =	stileid.u32  }
0xca: {  	s1 =	rddreg [dreg:$0x1];
	p0 =	sne.s32 s2, $0x0  }
0xcb: {  	s3 =	rddreg [dreg:$0x2];
	[bflag:$0x3] =	sbarrier.arrive $0xFFFF;
	s2 =	simm.s32 @!p0 $0x1C02  }
0xcc: {  	[timem:s3], [sflag:s2] =	dma.local @!p0 [hbm:s0], s1  }
0xcd: {  	s0 =	simm.s32 @!p0 $0x2  }
0xce: {  	_ =	swait.ge @!p0 [sflag:s0], s1  }
0xcf: {  	s1 =	ssub.s32 @!p0 $0x0, s1;
	[sflag:s0] =	ssyncset.done @!p0 $0x0  }
0xd0: {  	[sflag:s0] =	ssyncadd.s32 @!p0 s1  }
0xd1: {  	[bflag:$0x3] =	sbarrier.arrive $0xFFFF  }
0xd2: {  	_ =	shalt  }

// kernel: kernel.9.cloned.1.call-start
scs
__scs_entry_jumppad:
0x0: {  	(pc) =	sbr.rel $0x88, $3  }
0x1: {  	(tag) =	ssettag $0x0;
	lr =	simm.s32 $0x1  }
0x2: {  	[smem:$0x3F9A] =	sst lr;
	_ =	strace $0xD0000000  }
0x3: {  	_ = 	snop  }
0x4: {  	_ = 	snop  }
0x5: {  	_ = 	snop  }
0x6: {  	_ = 	snop  }
0x7: {  	_ = 	snop  }
__scs_overlays_trampoline_lowered:
0x8: {  	[smem:$0x3FA9] =	sst s0  }
0x9: {  	[smem:$0x3FAA] =	sst s1  }
0xa: {  	[smem:$0x3FAB] =	sst s2  }
0xb: {  	[smem:$0x3FAC] =	sst s3  }
0xc: {  	[smem:$0x3FAD] =	sst s4  }
0xd: {  	[smem:$0x3FAE] =	sst s5  }
0xe: {  	[smem:$0x3FAF] =	sst s6  }
0xf: {  	[smem:$0x3FB0] =	sst s7  }
0x10: {  	[smem:$0x3FB1] =	sst s8  }
0x11: {  	[smem:$0x3FB2] =	sst s9;
	s0 =	simm.s32 @!p0 $0x0  }
0x12: {  	s1 =	sld [smem:$0x3F98];
	s0 =	simm.s32 @p0 $0x1  }
0x13: {  	[smem:$0x3FB3] =	sst s0;
	s0 =	simm.s32 @!p1 $0x0  }
0x14: {  	s2 =	sld [smem:$0x3F97];
	s0 =	simm.s32 @p1 $0x1  }
0x15: {  	[smem:$0x3FB4] =	sst s0;
	s0 =	simm.s32 @!p2 $0x0  }
0x16: {  	s3 =	sld [smem:$0x3FDB];
	s0 =	simm.s32 @p2 $0x1  }
0x17: {  	s4 =	simm.s32 $0x1BF5;
	[smem:$0x3FB6] =	sst s0  }
0x18: {  	s0 =	sld [smem:$0x3F99];
	_ =	swait.ge [sflag:s4], $0x0  }
0x19: {  	s7 =	sld [smem:$0x3F9A]  }
0x1a: {  	s8 =	sadd.s32 $0xFFFFE003, lr  }
0x1b: {  	s9 =	sadd.s32 $0xFFFFFEF7, lr;
	s5 =	simm.s32 $0xFFFFFFFF;
	p2 =	slt.u32 s8, $0xFFFFF086  }
0x1c: {  	p1 =	slt.u32 s9, $0xF7A;
	s5 =	simm.s32 @!p2 $0x0  }
0x1d: {  	s5 =	simm.s32 @p1 $0x1;
	p0 =	seq.s32 s7, s2  }
0x1e: {  	s7 =	smul.u32 @!p0 $0xF7A, s2;
	p2 =	seq.s32 @!p0 s5, $0x0  }
0x1f: {  	s9 =	smul.u32 $0xF7A, s1;
	s8 =	simm.s32 @!p0 $0x1BF5;
	p2 =	por !p2, p0  }
0x20: {  	[sflag:s8] =	ssyncset.s32 @!p0 $0xFFFFF086;
	s6 =	sadd.s32 @!p0 s3, s7;
	s7 =	simm.s32 @!p0 $0x108  }
0x21: {  	s3 =	sadd.s32 s3, s9;
	s6 =	sadd.s32 @!p0 $0x88, s6;
	s7 =	simm.s32 @p2 $0x1082  }
0x22: {  	[simem:s7], [sflag:s8] =	dma.local @!p0 [hbm:s6], $0xF7A  }
0x23: {  	s9 =	sor.u32 $0xD0000000, s2;
	s6 =	simm.s32 $0x108;
	_ =	swait.ge @!p0 [sflag:s8], $0x0  }
0x24: {  	s3 =	sadd.s32 $0x88, s3;
	s6 =	simm.s32 @!p1 $0x1082;
	[sflag:s4] =	ssyncset.s32 $0xFFFFF086  }
0x25: {  	[simem:s6], [sflag:s4] =	dma.local [hbm:s3], $0xF7A  }
0x26: {  	[smem:$0x3F9A] =	sst s1;
	(tag) =	ssettag s2;
	_ =	strace s9  }
0x27: {  	s1 =	sld [smem:$0x3FAA]  }
0x28: {  	s2 =	sld [smem:$0x3FAB]  }
0x29: {  	s4 =	sld [smem:$0x3FAD]  }
0x2a: {  	p0 =	seq.s32 s5, $0x0;
	s5 =	sld [smem:$0x3FAE]  }
0x2b: {  	s6 =	sld [smem:$0x3FAF]  }
0x2c: {  	s7 =	sld [smem:$0x3FB0]  }
0x2d: {  	s3 =	simm.s32 $0x108;
	s8 =	sld [smem:$0x3FB1]  }
0x2e: {  	s3 =	simm.s32 @!p0 $0x1082;
	s9 =	sld [smem:$0x3FB2]  }
0x2f: {  	lr =	sadd.s32 s0, s3;
	s0 =	sld [smem:$0x3FA9]  }
0x30: {  	s3 =	sld [smem:$0x3FAC]  }
0x31: {  	[smem:$0x3FB5] =	sst s10  }
0x32: {  	s10 =	sld [smem:$0x3FB3];
	_ =	sdelay $0x3  }
0x33: {  	p0 =	seq.s32 s10, $0x1;
	s10 =	sld [smem:$0x3FB5];
	_ =	sdelay $0x3  }
0x34: {  	[smem:$0x3FB5] =	sst s10  }
0x35: {  	s10 =	sld [smem:$0x3FB4];
	_ =	sdelay $0x3  }
0x36: {  	p1 =	seq.s32 s10, $0x1;
	s10 =	sld [smem:$0x3FB5];
	_ =	sdelay $0x3  }
0x37: {  	[smem:$0x3FB5] =	sst s10  }
0x38: {  	s10 =	sld [smem:$0x3FB6]  }
0x39: {  	_ = 	snop;
	(pc) =	sbr.ind lr, $3  }
0x3a: {  	_ = 	snop  }
0x3b: {  	_ = 	snop  }
0x3c: {  	p2 =	seq.s32 s10, $0x1;
	s10 =	sld [smem:$0x3FB5]  }
0x3d: {  	_ =	shalt  }
0x3e: {  	_ =	shalt  }
0x3f: {  	_ =	shalt  }
0x40: {  	_ =	shalt  }
0x41: {  	_ =	shalt  }
0x42: {  	_ =	shalt  }
0x43: {  	_ =	shalt  }
0x44: {  	_ =	shalt  }
0x45: {  	_ =	shalt  }
0x46: {  	_ =	shalt  }
0x47: {  	_ =	shalt  }
0x48: {  	_ =	shalt  }
0x49: {  	_ =	shalt  }
0x4a: {  	_ =	shalt  }
0x4b: {  	_ =	shalt  }
0x4c: {  	_ =	shalt  }
0x4d: {  	_ =	shalt  }
0x4e: {  	_ =	shalt  }
0x4f: {  	_ =	shalt  }
0x50: {  	_ =	shalt  }
0x51: {  	_ =	shalt  }
0x52: {  	_ =	shalt  }
0x53: {  	_ =	shalt  }
0x54: {  	_ =	shalt  }
0x55: {  	_ =	shalt  }
0x56: {  	_ =	shalt  }
0x57: {  	_ =	shalt  }
0x58: {  	_ =	shalt  }
0x59: {  	_ =	shalt  }
0x5a: {  	_ =	shalt  }
0x5b: {  	_ =	shalt  }
0x5c: {  	_ =	shalt  }
0x5d: {  	_ =	shalt  }
0x5e: {  	_ =	shalt  }
0x5f: {  	_ =	shalt  }
0x60: {  	_ =	shalt  }
0x61: {  	_ =	shalt  }
0x62: {  	_ =	shalt  }
0x63: {  	_ =	shalt  }
0x64: {  	_ =	shalt  }
0x65: {  	_ =	shalt  }
0x66: {  	_ =	shalt  }
0x67: {  	_ =	shalt  }
0x68: {  	_ =	shalt  }
0x69: {  	_ =	shalt  }
0x6a: {  	_ =	shalt  }
0x6b: {  	_ =	shalt  }
0x6c: {  	_ =	shalt  }
0x6d: {  	_ =	shalt  }
0x6e: {  	_ =	shalt  }
0x6f: {  	_ =	shalt  }
0x70: {  	_ =	shalt  }
0x71: {  	_ =	shalt  }
0x72: {  	_ =	shalt  }
0x73: {  	_ =	shalt  }
0x74: {  	_ =	shalt  }
0x75: {  	_ =	shalt  }
0x76: {  	_ =	shalt  }
0x77: {  	_ =	shalt  }
0x78: {  	_ =	shalt  }
0x79: {  	_ =	shalt  }
0x7a: {  	_ =	shalt  }
0x7b: {  	_ =	shalt  }
0x7c: {  	_ =	shalt  }
0x7d: {  	_ =	shalt  }
0x7e: {  	_ =	shalt  }
0x7f: {  	_ =	shalt  }
0x80: {  	_ =	shalt  }
0x81: {  	_ =	shalt  }
0x82: {  	_ =	shalt  }
0x83: {  	_ =	shalt  }
0x84: {  	_ =	shalt  }
0x85: {  	_ =	shalt  }
0x86: {  	_ =	shalt  }
0x87: {  	_ =	shalt  }
.Lfunc_end0:
.L_simem_size_0:
called_computation.1_lowered:
.L_overlay_start_0:
0x88: {  	s2 =	sld [smem:$0x3FD9]  }
0x89: {  	s3 =	sld [smem:$0x3FFE];
	_ =	sdelay $0x1  }
0x8a: {  	s1 =	srdreg.scid  }
0x8b: {  	s0 =	sand.u32 $0x1, s1  }
0x8c: {  	s16 =	sshll.u32 s0, $0xA;
	s2 =	sadd.s32 s3, s2  }
0x8d: {  	s2 =	sadd.s32 s2, s16  }
0x8e: {  	[smem:$0x3FC1] =	sst s2  }
0x8f: {  	_ = 	snop  }
0x90: {  	(tm) =	ssettm $0x1  }
0x91: {  	s17 =	sld [smem:$0x3FFB];
	_ =	sdelay $0x3  }
0x92: {  	_ =	strace s17  }
0x93: {  	s2 =	sld [smem:$0x3FFC];
	_ =	sdelay $0x3  }
0x94: {  	_ =	strace s2  }
0x95: {  	s2 =	sld [smem:$0x3FFD];
	_ =	sdelay $0x3  }
0x96: {  	_ =	strace s2  }
0x97: {  	_ =	strace $0x8FFFFFFF  }
0x98: {  	s18 =	sld [smem:$0x3FDB];
	_ =	sdelay $0x1  }
0x99: {  	s19 =	simm.s32 $_scs_section_size  }
0x9a: {  	s4 =	simm.s32 $_size__tile_overlayer_lowered;
	s5 =	simm.s32 $_tile_overlayer_lowered  }
0x9b: {  	s22 =	simm.s32 $0x1BFF;
	s21 =	sshll.u32 s5, $0x1;
	s2 =	sadd.s32 s19, s18  }
0x9c: {  	s6 =	simm.s32 $0x0;
	s20 =	sshll.u32 s4, $0x1;
	s4 =	sadd.s32 s21, s2  }
0x9d: {  	[timem:s6], [sflag:s22] =	dma.local [hbm:s4], s20  }
0x9e: {  	_ =	swait.ge [sflag:s22], s20  }
0x9f: {  	s3 =	ssub.s32 $0x0, s20;
	[sflag:s22] =	ssyncset.done $0x0  }
0xa0: {  	[sflag:s22] =	ssyncadd.s32 s3;
	_ =	sdelay $0x1  }
0xa1: {  	s23 =	simm.s32 $0x1B8B  }
0xa2: {  	_ =	swait.ge [sflag:s23], $0x1  }
0xa3: {  	[sflag:s23] =	ssyncset.done $0x0  }
0xa4: {  	s25 =	simm.s32 $0x1B8E;
	s24 =	sld [smem:$0x3FFE];
	[sflag:s23] =	ssyncadd.s32 $0xFFFFFFFF  }
0xa5: {  	s26 =	simm.s32 $execute0_lowered;
	[smem:$0x3FD2] =	sst s25  }
0xa6: {  	s4 =	sshll.u32 s26, $0x1;
	_ =	strace $0x80000049;
	[dreg:$0x1] =	wrdreg $0xFFFFFFFF  }
0xa7: {  	s28 =	simm.s32 $_size_execute0_lowered;
	s2 =	sadd.s32 s2, s4;
	[dreg:$0x0] =	wrdreg $0x0  }
0xa8: {  	s4 =	sshll.u32 s28, $0x1;
	[dreg:$0x2] =	wrdreg s2  }
0xa9: {  	[dreg:$0x3] =	wrdreg s4  }
0xaa: {  	[dreg:$0x4] =	wrdreg $0xC0  }
0xab: {  	_ =	task [dreg:s6], $0x5FFFF  }
0xac: {  	[dreg:$0x1] =	wrdreg $0xFFFFFFFF  }
0xad: {  	[dreg:$0x0] =	wrdreg $0x60  }
0xae: {  	[dreg:$0x2] =	wrdreg s24  }
0xaf: {  	[dreg:$0x3] =	wrdreg $0xA2000  }
0xb0: {  	[dreg:$0x4] =	wrdreg $0x9  }
0xb1: {  	_ =	task.clear_ibuf [dreg:s6], $0x5FFFF;
	_ =	strace $0x90000049  }
0xb2: {  	s29 =	simm.s32 $0x9;
	_ =	strace $0x8000004B  }
0xb3: {  	_ =	swait.ge [sflag:s29], $0x1  }
0xb4: {  	[sflag:s29] =	ssyncadd.s32 $0xFFFFFFFF  }
0xb5: {  	_ =	strace $0x9000004B  }
0xb6: {  	_ =	sfence  }
0xb7: {  	s30 =	sld [smem:$0x0];
	_ =	sdelay $0x2  }
0xb8: {  	s31 =	sshll.u32 s1, $0xD;
	s1 =	sshrl.u32 s1, $0x2  }
0xb9: {  	s3 =	sand.u32 $0x4000, s31;
	s1 =	sadd.s32 s1, s30  }
0xba: {  	s0 =	sor.u32 s3, s0;
	s1 =	sshll.u32 s1, $0x11  }
0xbb: {  	s0 =	sor.u32 s1, s0  }
0xbc: {  	s0 =	sadd.s32 $0x8F2B, s0  }
0xbd: {  	[sflag:s0] =	ssyncadd.remote.s32 $0x1  }
0xbe: {  	_ =	sfence.sel $0xFFFF  }
0xbf: {  	[dreg:$0x0] =	wrdreg $0xFFFFFFFF;
	(pc) =	sbr.abs _section_cstart, $3  }
0xc0: {  	[dreg:$0x1] =	wrdreg $0xFFFFFFFF  }
0xc1: {  	_ =	task.clear_ibuf [dreg:s6], $0x2FFFF;
	_ =	strace $0x9FFFFFFF  }
0xc2: {  	(tm) =	ssettm $0x7FFFFFFF  }
0xc3: {  	_ =	shalt  }
tec
execute0_lowered:
.L_overlay_start_1:
0x0: {  	(tag) =	ssettag $0x1  }
0x1: {  	s0 =	rddreg [dreg:$0x0]  }
0x2: {  	s1 =	rddreg [dreg:$0x1]  }
0x3: {  	s2 =	srdreg.scid;
	s3 =	simm.s32 $0x0;
	s16 =	stileid.u32  }
0x4: {  	s28 =	simm.s32 $0x100;
	s29 =	simm.s32 $0x80;
	s7 =	smul.u32 $0x14000, s16  }
0x5: {  	s30 =	simm.s32 $0x1;
	s31 =	simm.s32 $0x200;
	s9 =	smul.u32 $0x50000, s16  }
0x6: {  	s2 =	sand.u32 $0x1, s2;
	[smem:$0x7FF] =	sst s3;
	s26 =	smul.u32 $0x2800, s16  }
0x7: {  	s4 =	sadd.s32 $0x66000, s0;
	s5 =	sadd.s32 $0x2000, s0;
	s6 =	smul.u32 $0x140000, s2  }
0x8: {  	_ =	strace $0x8000004A;
	s23 =	sshll.u32 s2, $0x4;
	s8 =	ssub.s32 $0x2, s2  }
0x9: {  	p0 =	sne.s32 s2, $0x0;
	s11 =	sshrl.u32 s8, $0x1;
	s25 =	sshrl.u32 s9, $0x2  }
0xa: {  	s24 =	ssub.s32 s8, s11;
	s8 =	sadd.s32 s25, s1;
	s11 =	sadd.s32 s4, s26  }
0xb: {  	s2 =	simm.s32 $0x2;
	[dreg:$0x3] =	wrdreg s11;
	s17 =	sadd.s32 $0x2000, s8  }
0xc: {  	s6 =	sadd.s32 s7, s6;
	s18 =	sadd.s32 $0x4000, s8;
	[dreg:$0x6] =	wrdreg s17  }
0xd: {  	s7 =	sor.u32 s16, s23;
	s19 =	sadd.s32 $0x6000, s8;
	[dreg:$0x7] =	wrdreg s18  }
0xe: {  	s25 =	sshll.u32 s16, $0x6;
	s20 =	sadd.s32 $0x8000, s8;
	[dreg:$0x8] =	wrdreg s19  }
0xf: {  	s16 =	simm.s32 $0x4;
	s21 =	sadd.s32 $0xA000, s8;
	[dreg:$0x9] =	wrdreg s20  }
0x10: {  	s10 =	sshrl.u32 s6, $0x3;
	s22 =	sadd.s32 $0xC000, s8;
	[dreg:$0xa] =	wrdreg s21  }
0x11: {  	s6 =	smul.u32 $0x2800, s7;
	s23 =	sadd.s32 $0xE000, s8;
	[dreg:$0xb] =	wrdreg s22  }
0x12: {  	s26 =	sadd.s32 $0x12000, s8;
	s25 =	sor.u32 $0x1C05, s25;
	[dreg:$0xc] =	wrdreg s23  }
0x13: {  	s0 =	sadd.s32 s10, s0;
	[dreg:$0xe] =	wrdreg s26;
	s26 =	simm.s32 $0x5  }
0x14: {  	s10 =	simm.s32 $0x4200;
	s17 =	simm.s32 $0x180;
	s7 =	sadd.s32 $0x50000, s6  }
0x15: {  	s18 =	simm.s32 $0x8200;
	s13 =	sshrl.u32 s6, $0x3;
	s12 =	sshrl.u32 s7, $0x3  }
0x16: {  	s19 =	simm.s32 $0x0;
	s9 =	sadd.s32 s5, s13;
	s14 =	sadd.s32 s5, s12  }
0x17: {  	s15 =	sadd.s32 $0x10, s9;
	s13 =	sadd.s32 $0xA010, s9;
	[dreg:$0x4] =	wrdreg s14  }
0x18: {  	[dreg:$0x5] =	wrdreg s15;
	s15 =	smax.u32 s24, $0x1;
	s24 =	sadd.s32 $0x10000, s8  }
0x19: {  	v0 =	vimm.f32 $0.0e+00;
	s14 =	sadd.s32 $0x8E000, s0;
	s0 =	simm.s32 $0x3;
	[dreg:$0xd] =	wrdreg s24  }
.LBB2_1:
.Ltmp0:
0x1a: {  	(pc) =	sbr.rel @p0 .LBB2_3-.Ltmp0, $2  }
0x1b: {  	_ =	sdelay $0x2  }
0x1c: {  	s20 =	sshrl.u32 s8, $0x3  }
.Ltmp1:
0x1d: {  	s11 =	rddreg [dreg:$0x3];
	(pc) =	sbr.rel .LBB2_6-.Ltmp1, $4  }
0x1e: {  	[spmem:s20], [sflag:s25] =	dma.local [hbm:s11], $0x2800  }
0x1f: {  	_ =	swait.ge [sflag:s26], $0x2800  }
0x20: {  	[sflag:s26] =	ssyncset.done $0x0  }
0x21: {  	[sflag:s26] =	ssyncadd.s32 $0xFFFFD800  }
.LBB2_3:
0x22: {  	s21 =	sshra.s32 s3, $0x2;
	s22 =	sadd.s32 $0x200, s3  }
.LBB2_4:
0x23: {  	p1 =	seq.s32 s22, $0x7E00;
	[tilespmem:s21+$0x8270] =	vst v0  }
0x24: {  	[tilespmem:s21+$0x8200] =	vst v0  }
0x25: {  	[tilespmem:s21+$0x8210] =	vst v0  }
.Ltmp2:
0x26: {  	[tilespmem:s21+$0x8220] =	vst v0;
	(pc) =	sbr.rel @!p1 .LBB2_4-.Ltmp2, $4  }
0x27: {  	[tilespmem:s21+$0x8230] =	vst v0  }
0x28: {  	[tilespmem:s21+$0x8240] =	vst v0  }
0x29: {  	[tilespmem:s21+$0x8250] =	vst v0  }
0x2a: {  	[tilespmem:s21+$0x8260] =	vst v0;
	s21 =	sshra.s32 s22, $0x2;
	s22 =	sadd.s32 $0x200, s22  }
0x2b: {  	[tilespmem:s21+$0x8270] =	vst v0  }
0x2c: {  	[tilespmem:s21+$0x8200] =	vst v0  }
0x2d: {  	[tilespmem:s21+$0x8210] =	vst v0  }
0x2e: {  	[tilespmem:s21+$0x8220] =	vst v0  }
0x2f: {  	[tilespmem:s21+$0x8230] =	vst v0  }
0x30: {  	[tilespmem:s21+$0x8240] =	vst v0  }
0x31: {  	[tilespmem:s21+$0x8250] =	vst v0  }
0x32: {  	[tilespmem:s21+$0x8260] =	vst v0  }
0x33: {  	[spmem:s8] =	stream.linear.scatter [tilespmem:s18], [sflag:$0x5], $0x2000, $0x38;
	[tilespmem:$0x1E200] =	vst v63  }
0x34: {  	_ =	swait.ge [sflag:s26], $0x2000  }
0x35: {  	[sflag:s26] =	ssyncset.done $0x0  }
0x36: {  	s11 =	rddreg [dreg:$0x6];
	[sflag:s26] =	ssyncadd.s32 $0xFFFFE000  }
0x37: {  	[spmem:s11] =	stream.linear.scatter [tilespmem:s18], [sflag:$0x5], $0x2000, $0x38;
	[tilespmem:$0x1E200] =	vst v63  }
0x38: {  	_ =	swait.ge [sflag:s26], $0x2000  }
0x39: {  	[sflag:s26] =	ssyncset.done $0x0  }
0x3a: {  	s22 =	rddreg [dreg:$0x7];
	[sflag:s26] =	ssyncadd.s32 $0xFFFFE000  }
0x3b: {  	[spmem:s22] =	stream.linear.scatter [tilespmem:s18], [sflag:$0x5], $0x2000, $0x38;
	[tilespmem:$0x1E200] =	vst v63  }
0x3c: {  	_ =	swait.ge [sflag:s26], $0x2000  }
0x3d: {  	[sflag:s26] =	ssyncset.done $0x0  }
0x3e: {  	s23 =	rddreg [dreg:$0x8];
	[sflag:s26] =	ssyncadd.s32 $0xFFFFE000  }
0x3f: {  	[spmem:s23] =	stream.linear.scatter [tilespmem:s18], [sflag:$0x5], $0x2000, $0x38;
	[tilespmem:$0x1E200] =	vst v63  }
0x40: {  	_ =	swait.ge [sflag:s26], $0x2000  }
0x41: {  	[sflag:s26] =	ssyncset.done $0x0  }
0x42: {  	s24 =	rddreg [dreg:$0x9];
	[sflag:s26] =	ssyncadd.s32 $0xFFFFE000  }
0x43: {  	[spmem:s24] =	stream.linear.scatter [tilespmem:s18], [sflag:$0x5], $0x2000, $0x38;
	[tilespmem:$0x1E200] =	vst v63  }
0x44: {  	_ =	swait.ge [sflag:s26], $0x2000  }
0x45: {  	[sflag:s26] =	ssyncset.done $0x0  }
0x46: {  	s12 =	rddreg [dreg:$0xa];
	[sflag:s26] =	ssyncadd.s32 $0xFFFFE000  }
0x47: {  	[spmem:s12] =	stream.linear.scatter [tilespmem:s18], [sflag:$0x5], $0x2000, $0x38;
	[tilespmem:$0x1E200] =	vst v63  }
0x48: {  	_ =	swait.ge [sflag:s26], $0x2000  }
0x49: {  	[sflag:s26] =	ssyncset.done $0x0  }
0x4a: {  	s21 =	rddreg [dreg:$0xb];
	[sflag:s26] =	ssyncadd.s32 $0xFFFFE000  }
0x4b: {  	[spmem:s21] =	stream.linear.scatter [tilespmem:s18], [sflag:$0x5], $0x2000, $0x38;
	[tilespmem:$0x1E200] =	vst v63  }
0x4c: {  	_ =	swait.ge [sflag:s26], $0x2000  }
0x4d: {  	[sflag:s26] =	ssyncset.done $0x0  }
0x4e: {  	s22 =	rddreg [dreg:$0xc];
	[sflag:s26] =	ssyncadd.s32 $0xFFFFE000  }
0x4f: {  	[spmem:s22] =	stream.linear.scatter [tilespmem:s18], [sflag:$0x5], $0x2000, $0x38;
	[tilespmem:$0x1E200] =	vst v63  }
0x50: {  	_ =	swait.ge [sflag:s26], $0x2000  }
0x51: {  	[sflag:s26] =	ssyncset.done $0x0  }
0x52: {  	s23 =	rddreg [dreg:$0xd];
	[sflag:s26] =	ssyncadd.s32 $0xFFFFE000  }
0x53: {  	[spmem:s23] =	stream.linear.scatter [tilespmem:s18], [sflag:$0x5], $0x2000, $0x38;
	[tilespmem:$0x1E200] =	vst v63  }
0x54: {  	_ =	swait.ge [sflag:s26], $0x2000  }
0x55: {  	[sflag:s26] =	ssyncset.done $0x0  }
0x56: {  	s24 =	rddreg [dreg:$0xe];
	[sflag:s26] =	ssyncadd.s32 $0xFFFFE000  }
0x57: {  	[spmem:s24] =	stream.linear.scatter [tilespmem:s18], [sflag:$0x5], $0x2000, $0x38;
	[tilespmem:$0x1E200] =	vst v63  }
0x58: {  	_ =	swait.ge [sflag:s26], $0x2000  }
0x59: {  	[sflag:s26] =	ssyncset.done $0x0  }
0x5a: {  	[sflag:s26] =	ssyncadd.s32 $0xFFFFE000  }
.LBB2_6:
0x5b: {  	[bflag:$0x0] =	sbarrier.arrive $0xFFFF  }
0x5c: {  	[tilespmem:s3], [sflag:$0x1] =	stream.linear.gather [hbm4b:s9+s3], $0x80, $0x38;
	[tilespmem:$0x1E200] =	vst v63  }
0x5d: {  	s11 =	rddreg [dreg:$0x4]  }
0x5e: {  	[tilespmem:s28], [sflag:$0x1] =	stream.linear.gather [hbm4b:s11+s3], $0x80, $0x38;
	[tilespmem:$0x1E200] =	vst v63  }
0x5f: {  	s24 =	rddreg [dreg:$0x5]  }
0x60: {  	[tilespmem:s29], [sflag:$0x2] =	stream.linear.gather [hbm4b:s24+s3], $0x80, $0x38;
	[tilespmem:$0x1E200] =	vst v63  }
0x61: {  	s21 =	simm.s32 $0x180  }
0x62: {  	[tilespmem:s21], [sflag:$0x2] =	stream.linear.gather [hbm4b:s13+s3], $0x80, $0x38;
	[tilespmem:$0x1E200] =	vst v63  }
0x63: {  	_ =	swait.ge [sflag:s30], $0x80  }
0x64: {  	[sflag:s30] =	ssyncset.done $0x0  }
0x65: {  	[sflag:s30] =	ssyncadd.s32 $0xFFFFFF80  }
0x66: {  	_ =	swait.ge [sflag:s30], $0x80  }
0x67: {  	[sflag:s30] =	ssyncset.done $0x0  }
0x68: {  	[sflag:s30] =	ssyncadd.s32 $0xFFFFFF80  }
0x69: {  	[tilespmem:s31], [sflag:$0x3] =	stream.indirect.gather [hbm4b:s4+s29], $0x80, s3, s29, $0xb8;
	[tilespmem:$0x1E200] =	vst v63  }
0x6a: {  	_ =	swait.ge [sflag:s0], $0x4000  }
0x6b: {  	[sflag:s0] =	ssyncset.done $0x0  }
0x6c: {  	[sflag:s0] =	ssyncadd.s32 $0xFFFFC000  }
0x6d: {  	[spmem:s1] =	stream.indirect.scatter.add.f32 [tilespmem:s31], [sflag:$0x4], $0x80, s28, s29, $0xb8;
	[tilespmem:$0x1E200] =	vst v63  }
0x6e: {  	_ =	swait.ge [sflag:s2], $0x80  }
0x6f: {  	[sflag:s2] =	ssyncset.done $0x0  }
0x70: {  	[sflag:s2] =	ssyncadd.s32 $0xFFFFFF80  }
0x71: {  	s22 =	simm.s32 $0x100;
	_ =	swait.ge [sflag:s2], $0x80  }
0x72: {  	s23 =	sand.u32 $0x7C00, s22;
	[sflag:s2] =	ssyncset.done $0x0  }
0x73: {  	s22 =	sand.u32 $0x300, s22;
	s24 =	sadd.s32 s6, s23;
	[sflag:s2] =	ssyncadd.s32 $0xFFFFFF80  }
0x74: {  	[tilespmem:s10], [sflag:$0x3] =	stream.indirect.gather [hbm4b:s4+s29], $0x80, s29, s29, $0xb8;
	[tilespmem:$0x1E200] =	vst v63  }
0x75: {  	s23 =	sadd.s32 s7, s23;
	s24 =	sor.u32 s22, s24;
	_ =	swait.ge [sflag:s16], $0x4000  }
0x76: {  	s22 =	sor.u32 s22, s23;
	s24 =	sshrl.u32 s24, $0x3;
	[sflag:s16] =	ssyncset.done $0x0  }
0x77: {  	s22 =	sshrl.u32 s22, $0x3;
	s12 =	sadd.s32 s5, s24;
	[sflag:s16] =	ssyncadd.s32 $0xFFFFC000  }
0x78: {  	[tilespmem:s3], [sflag:$0x1] =	stream.linear.gather [hbm4b:s12+s3], $0x80, $0x38;
	[tilespmem:$0x1E200] =	vst v63  }
0x79: {  	s22 =	sadd.s32 s5, s22  }
0x7a: {  	[tilespmem:s28], [sflag:$0x1] =	stream.linear.gather [hbm4b:s22+s3], $0x80, $0x38;
	[tilespmem:$0x1E200] =	vst v63  }
0x7b: {  	_ =	swait.ge [sflag:s0], $0x4000  }
0x7c: {  	[sflag:s0] =	ssyncset.done $0x0  }
0x7d: {  	[sflag:s0] =	ssyncadd.s32 $0xFFFFC000  }
0x7e: {  	[spmem:s1] =	stream.indirect.scatter.add.f32 [tilespmem:s10], [sflag:$0x4], $0x80, s17, s29, $0xb8;
	[tilespmem:$0x1E200] =	vst v63  }
0x7f: {  	_ =	swait.ge [sflag:s30], $0x80  }
0x80: {  	[sflag:s30] =	ssyncset.done $0x0  }
0x81: {  	[sflag:s30] =	ssyncadd.s32 $0xFFFFFF80  }
0x82: {  	_ =	swait.ge [sflag:s30], $0x80  }
0x83: {  	s23 =	sand.u32 $0x7C00, s21;
	[sflag:s30] =	ssyncset.done $0x0  }
0x84: {  	s21 =	sand.u32 $0x380, s21;
	s24 =	sadd.s32 s6, s23;
	[sflag:s30] =	ssyncadd.s32 $0xFFFFFF80  }
0x85: {  	[tilespmem:s31], [sflag:$0x3] =	stream.indirect.gather [hbm4b:s4+s29], $0x80, s3, s29, $0xb8;
	[tilespmem:$0x1E200] =	vst v63  }
0x86: {  	s22 =	sadd.s32 s7, s23;
	s23 =	sor.u32 s21, s24;
	_ =	swait.ge [sflag:s16], $0x4000  }
0x87: {  	s21 =	sor.u32 s21, s22;
	s11 =	sshrl.u32 s23, $0x3;
	[sflag:s16] =	ssyncset.done $0x0  }
0x88: {  	s21 =	sshrl.u32 s21, $0x3;
	s22 =	sadd.s32 s5, s11;
	[sflag:s16] =	ssyncadd.s32 $0xFFFFC000  }
0x89: {  	[tilespmem:s29], [sflag:$0x2] =	stream.linear.gather [hbm4b:s22+s3], $0x80, $0x38;
	[tilespmem:$0x1E200] =	vst v63  }
0x8a: {  	s21 =	sadd.s32 s5, s21  }
0x8b: {  	[tilespmem:s17], [sflag:$0x2] =	stream.linear.gather [hbm4b:s21+s3], $0x80, $0x38;
	[tilespmem:$0x1E200] =	vst v63  }
0x8c: {  	_ =	swait.ge [sflag:s0], $0x4000  }
0x8d: {  	[sflag:s0] =	ssyncset.done $0x0  }
0x8e: {  	s12 =	simm.s32 $0x200;
	[sflag:s0] =	ssyncadd.s32 $0xFFFFC000  }
0x8f: {  	[spmem:s1] =	stream.indirect.scatter.add.f32 [tilespmem:s31], [sflag:$0x4], $0x80, s28, s29, $0xb8;
	[tilespmem:$0x1E200] =	vst v63  }
0x90: {  	s24 =	sand.u32 $0x7C00, s12;
	_ =	swait.ge [sflag:s2], $0x80  }
0x91: {  	s12 =	sand.u32 $0x300, s12;
	s11 =	sadd.s32 s6, s24;
	[sflag:s2] =	ssyncset.done $0x0  }
0x92: {  	s24 =	sadd.s32 s7, s24;
	s11 =	sor.u32 s12, s11;
	[sflag:s2] =	ssyncadd.s32 $0xFFFFFF80  }
0x93: {  	s24 =	sor.u32 s12, s24;
	s23 =	sshrl.u32 s11, $0x3;
	_ =	swait.ge [sflag:s2], $0x80  }
0x94: {  	s22 =	simm.s32 $0x380;
	s21 =	simm.s32 $0x280;
	[sflag:s2] =	ssyncset.done $0x0  }
.LBB2_7:
0x95: {  	p1 =	sne.s32 s22, $0x2780  }
0x96: {  	[sflag:s2] =	ssyncadd.s32 $0xFFFFFF80;
	s11 =	smov.u32 s22;
	s22 =	sadd.s32 $0x100, s22  }
0x97: {  	[tilespmem:s10], [sflag:$0x3] =	stream.indirect.gather [hbm4b:s4+s29], $0x80, s29, s29, $0xb8;
	[tilespmem:$0x1E200] =	vst v63  }
0x98: {  	_ =	swait.ge [sflag:s16], $0x4000  }
0x99: {  	s12 =	sadd.s32 s5, s23;
	s23 =	sshrl.u32 s24, $0x3;
	[sflag:s16] =	ssyncset.done $0x0  }
0x9a: {  	[sflag:s16] =	ssyncadd.s32 $0xFFFFC000  }
0x9b: {  	[tilespmem:s3], [sflag:$0x1] =	stream.linear.gather [hbm4b:s12+s3], $0x80, $0x38;
	[tilespmem:$0x1E200] =	vst v63  }
0x9c: {  	s12 =	sadd.s32 s5, s23  }
0x9d: {  	[tilespmem:s28], [sflag:$0x1] =	stream.linear.gather [hbm4b:s12+s3], $0x80, $0x38;
	[tilespmem:$0x1E200] =	vst v63  }
0x9e: {  	_ =	swait.ge [sflag:s0], $0x4000  }
0x9f: {  	[sflag:s0] =	ssyncset.done $0x0  }
0xa0: {  	[sflag:s0] =	ssyncadd.s32 $0xFFFFC000  }
0xa1: {  	[spmem:s1] =	stream.indirect.scatter.add.f32 [tilespmem:s10], [sflag:$0x4], $0x80, s17, s29, $0xb8;
	[tilespmem:$0x1E200] =	vst v63  }
0xa2: {  	_ =	swait.ge [sflag:s30], $0x80  }
0xa3: {  	[sflag:s30] =	ssyncset.done $0x0  }
0xa4: {  	[sflag:s30] =	ssyncadd.s32 $0xFFFFFF80  }
0xa5: {  	_ =	swait.ge [sflag:s30], $0x80  }
0xa6: {  	s12 =	sand.u32 $0x7C00, s21;
	s21 =	sand.u32 $0x380, s21;
	[sflag:s30] =	ssyncset.done $0x0  }
0xa7: {  	s23 =	sadd.s32 s6, s12;
	s12 =	sadd.s32 s7, s12;
	[sflag:s30] =	ssyncadd.s32 $0xFFFFFF80  }
0xa8: {  	[tilespmem:s31], [sflag:$0x3] =	stream.indirect.gather [hbm4b:s4+s29], $0x80, s3, s29, $0xb8;
	[tilespmem:$0x1E200] =	vst v63  }
0xa9: {  	s23 =	sor.u32 s21, s23;
	s12 =	sor.u32 s21, s12;
	_ =	swait.ge [sflag:s16], $0x4000  }
0xaa: {  	s21 =	sshrl.u32 s23, $0x3;
	s12 =	sshrl.u32 s12, $0x3;
	[sflag:s16] =	ssyncset.done $0x0  }
0xab: {  	s21 =	sadd.s32 s5, s21;
	s12 =	sadd.s32 s5, s12;
	[sflag:s16] =	ssyncadd.s32 $0xFFFFC000  }
0xac: {  	[tilespmem:s29], [sflag:$0x2] =	stream.linear.gather [hbm4b:s21+s3], $0x80, $0x38;
	[tilespmem:$0x1E200] =	vst v63  }
0xad: {  	s21 =	smov.u32 s11  }
0xae: {  	[tilespmem:s17], [sflag:$0x2] =	stream.linear.gather [hbm4b:s12+s3], $0x80, $0x38;
	[tilespmem:$0x1E200] =	vst v63  }
0xaf: {  	_ =	swait.ge [sflag:s0], $0x4000  }
0xb0: {  	[sflag:s0] =	ssyncset.done $0x0  }
0xb1: {  	[sflag:s0] =	ssyncadd.s32 $0xFFFFC000  }
0xb2: {  	[spmem:s1] =	stream.indirect.scatter.add.f32 [tilespmem:s31], [sflag:$0x4], $0x80, s28, s29, $0xb8;
	[tilespmem:$0x1E200] =	vst v63  }
.Ltmp3:
0xb3: {  	s11 =	sadd.s32 $0xFFFFFF80, s21;
	_ =	swait.ge [sflag:s2], $0x80;
	(pc) =	sbr.rel @p1 .LBB2_7-.Ltmp3, $4  }
0xb4: {  	s12 =	sand.u32 $0x7C00, s11;
	[sflag:s2] =	ssyncset.done $0x0  }
0xb5: {  	s11 =	sand.u32 $0x300, s11;
	s23 =	sadd.s32 s6, s12;
	[sflag:s2] =	ssyncadd.s32 $0xFFFFFF80  }
0xb6: {  	s12 =	sadd.s32 s7, s12;
	s23 =	sor.u32 s11, s23;
	_ =	swait.ge [sflag:s2], $0x80  }
0xb7: {  	s24 =	sor.u32 s11, s12;
	s23 =	sshrl.u32 s23, $0x3;
	[sflag:s2] =	ssyncset.done $0x0  }
0xb8: {  	[sflag:s2] =	ssyncadd.s32 $0xFFFFFF80  }
0xb9: {  	[tilespmem:s10], [sflag:$0x3] =	stream.indirect.gather [hbm4b:s4+s29], $0x80, s29, s29, $0xb8;
	[tilespmem:$0x1E200] =	vst v63  }
0xba: {  	_ =	swait.ge [sflag:s16], $0x4000  }
0xbb: {  	[sflag:s16] =	ssyncset.done $0x0  }
0xbc: {  	s11 =	sadd.s32 s5, s23;
	s12 =	sshrl.u32 s24, $0x3;
	[sflag:s16] =	ssyncadd.s32 $0xFFFFC000  }
0xbd: {  	[tilespmem:s3], [sflag:$0x1] =	stream.linear.gather [hbm4b:s11+s3], $0x80, $0x38;
	[tilespmem:$0x1E200] =	vst v63  }
0xbe: {  	s24 =	sadd.s32 s5, s12  }
0xbf: {  	[tilespmem:s28], [sflag:$0x1] =	stream.linear.gather [hbm4b:s24+s3], $0x80, $0x38;
	[tilespmem:$0x1E200] =	vst v63  }
0xc0: {  	_ =	swait.ge [sflag:s0], $0x4000  }
0xc1: {  	[sflag:s0] =	ssyncset.done $0x0  }
0xc2: {  	[sflag:s0] =	ssyncadd.s32 $0xFFFFC000  }
0xc3: {  	[spmem:s1] =	stream.indirect.scatter.add.f32 [tilespmem:s10], [sflag:$0x4], $0x80, s17, s29, $0xb8;
	[tilespmem:$0x1E200] =	vst v63  }
0xc4: {  	_ =	swait.ge [sflag:s30], $0x80  }
0xc5: {  	[sflag:s30] =	ssyncset.done $0x0  }
0xc6: {  	[sflag:s30] =	ssyncadd.s32 $0xFFFFFF80  }
0xc7: {  	_ =	swait.ge [sflag:s30], $0x80  }
0xc8: {  	s12 =	sand.u32 $0x7C00, s21;
	[sflag:s30] =	ssyncset.done $0x0  }
0xc9: {  	s22 =	sand.u32 $0x380, s21;
	s23 =	sadd.s32 s6, s12;
	[sflag:s30] =	ssyncadd.s32 $0xFFFFFF80  }
0xca: {  	[tilespmem:s31], [sflag:$0x3] =	stream.indirect.gather [hbm4b:s4+s29], $0x80, s3, s29, $0xb8;
	[tilespmem:$0x1E200] =	vst v63  }
0xcb: {  	s21 =	sor.u32 s22, s23;
	s11 =	sadd.s32 s7, s12;
	_ =	swait.ge [sflag:s16], $0x4000  }
0xcc: {  	s11 =	sor.u32 s22, s11;
	s24 =	sshrl.u32 s21, $0x3;
	[sflag:s16] =	ssyncset.done $0x0  }
0xcd: {  	s11 =	sshrl.u32 s11, $0x3;
	s12 =	sadd.s32 s5, s24;
	[sflag:s16] =	ssyncadd.s32 $0xFFFFC000  }
0xce: {  	[tilespmem:s29], [sflag:$0x2] =	stream.linear.gather [hbm4b:s12+s3], $0x80, $0x38;
	[tilespmem:$0x1E200] =	vst v63  }
0xcf: {  	s11 =	sadd.s32 s5, s11  }
0xd0: {  	[tilespmem:s17], [sflag:$0x2] =	stream.linear.gather [hbm4b:s11+s3], $0x80, $0x38;
	[tilespmem:$0x1E200] =	vst v63  }
0xd1: {  	_ =	swait.ge [sflag:s0], $0x4000  }
0xd2: {  	[sflag:s0] =	ssyncset.done $0x0  }
0xd3: {  	[sflag:s0] =	ssyncadd.s32 $0xFFFFC000  }
0xd4: {  	[spmem:s1] =	stream.indirect.scatter.add.f32 [tilespmem:s31], [sflag:$0x4], $0x80, s28, s29, $0xb8;
	[tilespmem:$0x1E200] =	vst v63  }
0xd5: {  	_ =	swait.ge [sflag:s2], $0x80  }
0xd6: {  	[sflag:s2] =	ssyncset.done $0x0  }
0xd7: {  	[sflag:s2] =	ssyncadd.s32 $0xFFFFFF80  }
0xd8: {  	_ =	swait.ge [sflag:s2], $0x80  }
0xd9: {  	[sflag:s2] =	ssyncset.done $0x0  }
0xda: {  	[sflag:s2] =	ssyncadd.s32 $0xFFFFFF80  }
0xdb: {  	[tilespmem:s10], [sflag:$0x3] =	stream.indirect.gather [hbm4b:s4+s29], $0x80, s29, s29, $0xb8;
	[tilespmem:$0x1E200] =	vst v63  }
0xdc: {  	_ =	swait.ge [sflag:s16], $0x4000  }
0xdd: {  	[sflag:s16] =	ssyncset.done $0x0  }
0xde: {  	[sflag:s16] =	ssyncadd.s32 $0xFFFFC000  }
0xdf: {  	_ =	swait.ge [sflag:s0], $0x4000  }
0xe0: {  	[sflag:s0] =	ssyncset.done $0x0  }
0xe1: {  	[sflag:s0] =	ssyncadd.s32 $0xFFFFC000  }
0xe2: {  	[spmem:s1] =	stream.indirect.scatter.add.f32 [tilespmem:s10], [sflag:$0x4], $0x80, s17, s29, $0xb8;
	[tilespmem:$0x1E200] =	vst v63  }
0xe3: {  	_ =	swait.ge [sflag:s16], $0x4000  }
0xe4: {  	s19 =	sadd.s32 $0x1, s19;
	[sflag:s16] =	ssyncset.done $0x0  }
0xe5: {  	p1 =	sne.s32 s19, s15;
	[sflag:s16] =	ssyncadd.s32 $0xFFFFC000  }
.Ltmp4:
0xe6: {  	[bflag:$0x0] =	sbarrier.arrive $0xFFFF;
	(pc) =	sbr.rel @p1 .LBB2_1-.Ltmp4, $4  }
0xe7: {  	[hbm:s14], [sflag:s25] =	dma.local [spmem:s20], $0x2800  }
0xe8: {  	_ =	swait.ge [sflag:s26], $0x2800  }
0xe9: {  	[sflag:s26] =	ssyncset.done $0x0  }
0xea: {  	[sflag:s26] =	ssyncadd.s32 $0xFFFFD800  }
0xeb: {  	_ =	sfence.sel $0x180000  }
0xec: {  	[bflag:$0x0] =	sbarrier.arrive $0xFFFF  }
0xed: {  	_ =	strace $0x9000004A  }
0xee: {  	s0 =	stileid.u32;
	[bflag:$0x2] =	sbarrier.arrive $0xFFFF  }
0xef: {  	p0 =	sne.s32 s0, $0x0;
	s0 =	rddreg [dreg:$0x2]  }
0xf0: {  	s0 =	sadd.s32 @!p0 $0x100000, s0  }
0xf1: {  	[sflag:s0] =	ssyncadd.tile.s32 @!p0 $0x1;
	_ =	shalt  }
.Lfunc_end2:
_tile_overlayer_lowered:
.L_overlay_start_2:
0xf2: {  	(tag) =	ssettag $0x2  }
0xf3: {  	s0 =	rddreg [dreg:$0x0];
	s2 =	stileid.u32  }
0xf4: {  	s1 =	rddreg [dreg:$0x1];
	p0 =	sne.s32 s2, $0x0  }
0xf5: {  	s3 =	rddreg [dreg:$0x2];
	[bflag:$0x3] =	sbarrier.arrive $0xFFFF;
	s2 =	simm.s32 @!p0 $0x1C05  }
0xf6: {  	[timem:s3], [sflag:s2] =	dma.local @!p0 [hbm:s0], s1  }
0xf7: {  	s0 =	simm.s32 @!p0 $0x5  }
0xf8: {  	_ =	swait.ge @!p0 [sflag:s0], s1  }
0xf9: {  	s1 =	ssub.s32 @!p0 $0x0, s1;
	[sflag:s0] =	ssyncset.done @!p0 $0x0  }
0xfa: {  	[sflag:s0] =	ssyncadd.s32 @!p0 s1  }
0xfb: {  	[bflag:$0x3] =	sbarrier.arrive $0xFFFF  }
0xfc: {  	_ =	shalt  }

</sc_bundles>
